<compile_context>
chip_gen: v7x
topology: tpu7x:2x2x1
jax: 0.10.2.dev20260603
libtpu: 0.0.44.dev20260713+nightly
codegen_flags: <defaults>
</compile_context>

<pallas_src>
import functools

import jax
import jax.numpy as jnp
from jax import lax
from jax.experimental import pallas as pl
from jax.experimental.pallas import tpu as pltpu
from jax.experimental.pallas import tpu_sc as plsc

H = 128
NB = 4
NW = 32
GROW = 128


def _pick_b0(ngroups):
    for b0 in (5, 4, 2, 1):
        if ngroups % b0 == 0:
            return b0
    return 1


def _sc_gather(table, idxg):
    G = idxg.shape[0]
    g_pw = G // NW
    assert G % NW == 0
    NBUF = 4 if g_pw % 4 == 0 else (2 if g_pw % 2 == 0 else 1)
    mesh = plsc.VectorSubcoreMesh(core_axis_name="c", subcore_axis_name="s")

    @functools.partial(
        pl.kernel,
        out_type=jax.ShapeDtypeStruct((G, GROW, table.shape[1]), table.dtype),
        mesh=mesh,
        scratch_types=[
            pltpu.VMEM((g_pw * GROW,), jnp.int32),
            pltpu.VMEM((NBUF * GROW, table.shape[1]), table.dtype),
            pltpu.SemaphoreType.DMA,
            [pltpu.SemaphoreType.DMA] * NBUF,
            [pltpu.SemaphoreType.DMA] * NBUF,
        ],
    )
    def k(table_hbm, idx_hbm, out_hbm, idx_v, rows_v, isem, gsems, wsems):
        wid = lax.axis_index("s") * 2 + lax.axis_index("c")
        base = wid * g_pw

        def idx_at(g):
            return idx_v.at[pl.ds(pl.multiple_of(g * GROW, GROW), GROW)]

        def buf_at(b):
            return rows_v.at[pl.ds(b * GROW, GROW)]

        pltpu.async_copy(
            idx_hbm.at[pl.ds(base * GROW, g_pw * GROW)], idx_v, isem
        ).wait()

        for b in range(NBUF):
            pltpu.async_copy(table_hbm.at[idx_at(b)], buf_at(b), gsems[b])

        def body(i, _):
            for b in range(NBUF):
                g = i * NBUF + b
                pltpu.make_async_copy(
                    table_hbm.at[idx_at(g)], buf_at(b), gsems[b]).wait()
                wr = pltpu.async_copy(buf_at(b), out_hbm.at[base + g], wsems[b])
                @pl.when(i < g_pw // NBUF - 1)
                def _():
                    wr.wait()
                    pltpu.async_copy(
                        table_hbm.at[idx_at(g + NBUF)], buf_at(b), gsems[b])
            return ()

        lax.fori_loop(0, g_pw // NBUF, body, (), unroll=False)
        for b in range(NBUF):
            pltpu.make_async_copy(buf_at(b), out_hbm.at[base], wsems[b]).wait()

    return k(table, idxg.reshape(-1))


def _tc_depth0(fmess, Wc, bc, E, FD):
    BE = 640 if E % 640 == 0 else 512
    nblk = E // BE

    def body(fm, wc, b, out):
        x = jnp.dot(fm[...], wc[...], preferred_element_type=jnp.float32) + b[...]
        fz = x[:, :H]
        fh = x[:, H:]
        h1 = jax.nn.sigmoid(fz) * jnp.tanh(fh)
        rows = lax.broadcasted_iota(jnp.int32, (BE, 1), 0) + pl.program_id(0) * BE
        out[...] = jnp.where(rows == 0, 0.0, h1)

    return pl.pallas_call(
        body,
        grid=(nblk,),
        in_specs=[
            pl.BlockSpec((BE, FD), lambda j: (j, 0)),
            pl.BlockSpec((FD, 2 * H), lambda j: (0, 0)),
            pl.BlockSpec((1, 2 * H), lambda j: (0, 0)),
        ],
        out_specs=pl.BlockSpec((BE, H), lambda j: (j, 0)),
        out_shape=jax.ShapeDtypeStruct((E, H), jnp.float32),
    )(fmess, Wc, bc)


def _tc_depth(hn, fmess, Wc, bc, U_r, b_ur, Wz1, Wh1, E, FD):
    GK = E // GROW
    B0 = _pick_b0(GK)
    BE = B0 * GROW
    nblk = E // BE

    def body(hn0, hn1, hn2, hn3, fm, wc, b, ur, bur, wz, wh, out):
        x = jnp.dot(fm[...], wc[...], preferred_element_type=jnp.float32) + b[...]
        fz = x[:, :H]
        r1 = x[:, H:2 * H]
        fh = x[:, 2 * H:]
        sum_h = jnp.zeros((BE, H), jnp.float32)
        sum_g = jnp.zeros((BE, H), jnp.float32)
        for ref in (hn0, hn1, hn2, hn3):
            hkf = ref[...].reshape(BE, H)
            r2 = jnp.dot(hkf, ur[...], preferred_element_type=jnp.float32)
            rk = jax.nn.sigmoid(r1 + r2 + bur[...])
            sum_h = sum_h + hkf
            sum_g = sum_g + rk * hkf
        z = jax.nn.sigmoid(fz + jnp.dot(sum_h, wz[...],
                                        preferred_element_type=jnp.float32))
        pre = jnp.tanh(fh + jnp.dot(sum_g, wh[...],
                                    preferred_element_type=jnp.float32))
        newh = (1.0 - z) * sum_h + z * pre
        rows = lax.broadcasted_iota(jnp.int32, (BE, 1), 0) + pl.program_id(0) * BE
        out[...] = jnp.where(rows == 0, 0.0, newh)

    def hn_spec(k):
        return pl.BlockSpec((B0, GROW, H), lambda j, k=k: (k * (GK // B0) + j, 0, 0))

    return pl.pallas_call(
        body,
        grid=(nblk,),
        in_specs=[
            hn_spec(0), hn_spec(1), hn_spec(2), hn_spec(3),
            pl.BlockSpec((BE, FD), lambda j: (j, 0)),
            pl.BlockSpec((FD, 3 * H), lambda j: (0, 0)),
            pl.BlockSpec((1, 3 * H), lambda j: (0, 0)),
            pl.BlockSpec((H, H), lambda j: (0, 0)),
            pl.BlockSpec((1, H), lambda j: (0, 0)),
            pl.BlockSpec((H, H), lambda j: (0, 0)),
            pl.BlockSpec((H, H), lambda j: (0, 0)),
        ],
        out_specs=pl.BlockSpec((BE, H), lambda j: (j, 0)),
        out_shape=jax.ShapeDtypeStruct((E, H), jnp.float32),
    )(hn, hn, hn, hn, fmess, Wc, bc, U_r, b_ur, Wz1, Wh1)


def _tc_readout(an, fnode_p, Wo0, Wo1, bo, mask_p):
    NP, FD = fnode_p.shape
    GKN = NP // GROW
    B0 = _pick_b0(GKN)
    BN = B0 * GROW
    nblk = NP // BN

    def body(a0, a1, a2, a3, fn, w0, w1, b, m, out):
        nei = (a0[...].reshape(BN, H) + a1[...].reshape(BN, H)
               + a2[...].reshape(BN, H) + a3[...].reshape(BN, H))
        acc = jnp.dot(fn[...], w0[...], preferred_element_type=jnp.float32)
        acc = acc + jnp.dot(nei, w1[...], preferred_element_type=jnp.float32)
        out[...] = jax.nn.relu(acc + b[...]) * m[...]

    def an_spec(k):
        return pl.BlockSpec((B0, GROW, H), lambda j, k=k: (k * (GKN // B0) + j, 0, 0))

    return pl.pallas_call(
        body,
        grid=(nblk,),
        in_specs=[
            an_spec(0), an_spec(1), an_spec(2), an_spec(3),
            pl.BlockSpec((BN, FD), lambda j: (j, 0)),
            pl.BlockSpec((FD, H), lambda j: (0, 0)),
            pl.BlockSpec((H, H), lambda j: (0, 0)),
            pl.BlockSpec((1, H), lambda j: (0, 0)),
            pl.BlockSpec((BN, 1), lambda j: (j, 0)),
        ],
        out_specs=pl.BlockSpec((BN, H), lambda j: (j, 0)),
        out_shape=jax.ShapeDtypeStruct((NP, H), jnp.float32),
    )(an, an, an, an, fnode_p, Wo0, Wo1, bo, mask_p)


def kernel(fnode, fmess, agraph, bgraph, mask, W_z, b_z, W_r, U_r, b_ur, W_h, b_h, W_o, b_o):
    N, NFD = fnode.shape
    E, FD = fmess.shape

    Wz0, Wz1 = W_z[:FD], W_z[FD:]
    Wh0, Wh1 = W_h[:FD], W_h[FD:]
    Wo0, Wo1 = W_o[:NFD], W_o[NFD:]
    Wc0 = jnp.concatenate([Wz0, Wh0], axis=1)
    bc0 = jnp.concatenate([b_z, b_h])[None, :]
    Wc = jnp.concatenate([Wz0, W_r, Wh0], axis=1)
    bc = jnp.concatenate([b_z, jnp.zeros_like(b_z), b_h])[None, :]
    bur = b_ur[None, :]
    bo = b_o[None, :]

    RB = NB * E
    RBp = ((RB + NW * GROW - 1) // (NW * GROW)) * (NW * GROW)
    bg_idx = jnp.concatenate(
        [bgraph.T.reshape(-1), jnp.zeros((RBp - RB,), jnp.int32)]
    ).reshape(-1, GROW)

    NP = ((N + 1023) // 1024) * 1024
    ag_idx = jnp.pad(agraph.T, ((0, 0), (0, NP - N))).reshape(-1, GROW)
    fnode_p = jnp.pad(fnode, ((0, NP - N), (0, 0)))
    mask_p = jnp.pad(mask, ((0, NP - N), (0, 0)))
    h = _tc_depth0(fmess, Wc0, bc0, E, FD)
    for _ in range(2):
        hn = _sc_gather(h, bg_idx)
        h = _tc_depth(hn, fmess, Wc, bc, U_r, bur, Wz1, Wh1, E, FD)
    an = _sc_gather(h, ag_idx)
    out = _tc_readout(an, fnode_p, Wo0, Wo1, bo, mask_p)
    return out[:N]

# --- scband reference (transcript-rebuilt; emitter-appended) ---
"""Pipeline reference for scband-mpnlayer-12876311954005 (READ-ONLY COPY).

The authoritative reference and input builder live on the scoring server;
editing this copy changes nothing except your own understanding.
"""

import jax, jax.numpy as jnp
import numpy as np

N = 10000
E = 160000
MAXNB = 4
NODE_FDIM = 256
EDGE_FDIM = 16
HSIZE = 128
DEPTH = 3


def setup_inputs(seed: int = 0) -> dict:
    key = jax.random.key(seed)
    ks = jax.random.split(key, 14)
    fnode = jax.random.normal(ks[0], (N, NODE_FDIM), dtype=jnp.float32)
    fmess = jax.random.normal(ks[1], (E, EDGE_FDIM), dtype=jnp.float32)
    agraph = jax.random.randint(ks[2], (N, MAXNB), 0, E, dtype=jnp.int32)
    bgraph = jax.random.randint(ks[3], (E, MAXNB), 0, E, dtype=jnp.int32)
    mask = jnp.ones((N, 1), dtype=jnp.float32)
    s = 0.05
    W_z = s * jax.random.normal(ks[4], (EDGE_FDIM + HSIZE, HSIZE), dtype=jnp.float32)
    b_z = jnp.zeros((HSIZE,), dtype=jnp.float32)
    W_r = s * jax.random.normal(ks[5], (EDGE_FDIM, HSIZE), dtype=jnp.float32)
    U_r = s * jax.random.normal(ks[6], (HSIZE, HSIZE), dtype=jnp.float32)
    b_ur = jnp.zeros((HSIZE,), dtype=jnp.float32)
    W_h = s * jax.random.normal(ks[7], (EDGE_FDIM + HSIZE, HSIZE), dtype=jnp.float32)
    b_h = jnp.zeros((HSIZE,), dtype=jnp.float32)
    W_o = s * jax.random.normal(ks[8], (NODE_FDIM + HSIZE, HSIZE), dtype=jnp.float32)
    b_o = jnp.zeros((HSIZE,), dtype=jnp.float32)
    return {"fnode": fnode, "fmess": fmess, "agraph": agraph, "bgraph": bgraph,
            "mask": mask, "W_z": W_z, "b_z": b_z, "W_r": W_r, "U_r": U_r,
            "b_ur": b_ur, "W_h": W_h, "b_h": b_h, "W_o": W_o, "b_o": b_o}


def reference(fnode, fmess, agraph, bgraph, mask, W_z, b_z, W_r, U_r, b_ur, W_h, b_h, W_o, b_o):
    # GRU message passing over edges (eval mode: dropout_p=0 -> no-op)
    h = jnp.zeros((E, HSIZE), dtype=jnp.float32)
    msk = jnp.ones((E, 1), dtype=jnp.float32).at[0, 0].set(0.0)
    for _ in range(DEPTH):
        h_nei = h[bgraph]  # [E, MAXNB, HSIZE] gather
        sum_h = h_nei.sum(axis=1)
        z = jax.nn.sigmoid(jnp.concatenate([fmess, sum_h], axis=1) @ W_z + b_z)
        r_1 = (fmess @ W_r)[:, None, :]
        r_2 = h_nei @ U_r + b_ur
        r = jax.nn.sigmoid(r_1 + r_2)
        sum_gated_h = (r * h_nei).sum(axis=1)
        pre_h = jnp.tanh(jnp.concatenate([fmess, sum_gated_h], axis=1) @ W_h + b_h)
        new_h = (1.0 - z) * sum_h + z * pre_h
        h = new_h * msk
    # node readout: aggregate incoming messages, W_o + ReLU
    nei_message = h[agraph].sum(axis=1)  # [N, HSIZE]
    node_hiddens = jax.nn.relu(jnp.concatenate([fnode, nei_message], axis=1) @ W_o + b_o)
    return node_hiddens * mask

if __name__ == "__main__":
    import jax
    _d = setup_inputs()
    print(jax.jit(kernel)(*tuple(_d.values())))

</pallas_src>

<mosaic_0001>
#map = affine_map<(d0, d1) -> (0, 0)>
#map1 = affine_map<(d0, d1) -> (0)>
#map2 = affine_map<(d0, d1) -> (0, 0, 0)>
module attributes {stable_mosaic.version = 14 : i64} {
  func.func @k(%arg0: i32, %arg1: i32, %arg2: memref<160000x128xf32, #tpu.memory_space<hbm>>, %arg3: memref<643072xi32, #tpu.memory_space<hbm>>, %arg4: memref<5024x128x128xf32, #tpu.memory_space<hbm>>, %arg5: memref<20096xi32, #tpu.memory_space<vmem>>, %arg6: memref<128x128xf32, #tpu.memory_space<vmem>>, %arg7: memref<!tpu.dma_semaphore, #tpu.memory_space<semaphore_mem>>, %arg8: memref<!tpu.dma_semaphore, #tpu.memory_space<semaphore_mem>>, %arg9: memref<!tpu.dma_semaphore, #tpu.memory_space<semaphore_mem>>) attributes {dimension_semantics = [#tpu.dimension_semantics<core_parallel>, #tpu.dimension_semantics<subcore_parallel>], iteration_bounds = array<i64: 2, 16>, scalar_prefetch = 0 : i64, scratch_operands = 5 : i64, tpu.core_type = #tpu.core_type<sc_vector_subcore>, window_params = [{transform_indices = #map}, {transform_indices = #map1}, {transform_indices = #map2}]} {
    %mul3A = arith.constant 2 : i32
    %mul3A_0 = arith.muli %arg1, %mul3A : i32
    %add3A = arith.addi %mul3A_0, %arg0 : i32
    %mul3A_1 = arith.constant 157 : i32
    %mul3A_2 = arith.muli %add3A, %mul3A_1 : i32
    %mul3A_3 = arith.constant 128 : i32
    %mul3A_4 = arith.muli %mul3A_2, %mul3A_3 : i32
    %dma_start3A = tpu.memref_slice %arg3[%mul3A_4] : memref<643072xi32, #tpu.memory_space<hbm>> -> memref<20096xi32, #tpu.memory_space<hbm>>
    %dma_start3A_5 = tpu.memref_slice %arg3[%mul3A_4] : memref<643072xi32, #tpu.memory_space<hbm>> -> memref<20096xi32, #tpu.memory_space<hbm>>
    tpu.enqueue_dma source(%dma_start3A_5 : memref<20096xi32, #tpu.memory_space<hbm>>) target(%arg5 : memref<20096xi32, #tpu.memory_space<vmem>>) target_semaphore(%arg7 : memref<!tpu.dma_semaphore, #tpu.memory_space<semaphore_mem>>)
    %dma_wait3A = tpu.memref_slice %arg3[%mul3A_4] : memref<643072xi32, #tpu.memory_space<hbm>> -> memref<20096xi32, #tpu.memory_space<hbm>>
    %dma_wait3A_6 = tpu.memref_slice %arg3[%mul3A_4] : memref<643072xi32, #tpu.memory_space<hbm>> -> memref<20096xi32, #tpu.memory_space<hbm>>
    tpu.wait_dma2 semaphore(%arg7 : memref<!tpu.dma_semaphore, #tpu.memory_space<semaphore_mem>>) src(%dma_wait3A_6 : memref<20096xi32, #tpu.memory_space<hbm>>) dst(%arg5 : memref<20096xi32, #tpu.memory_space<vmem>>)
    %multiple_of3A = arith.constant 0 : i32
    %multiple_of3A_7 = tpu.assume_multiple %multiple_of3A, 128 : i32
    %dma_start3A_8 = arith.constant 0 : i32
    %dma_start3A_9 = arith.constant 0 : i32
    %dma_start3A_10 = tpu.memref_slice %arg6[%dma_start3A_8, %dma_start3A_9] : memref<128x128xf32, #tpu.memory_space<vmem>> -> memref<128x128xf32, #tpu.memory_space<vmem>>
    %dma_start3A_11 = tpu.memref_slice %arg5[%multiple_of3A_7] : memref<20096xi32, #tpu.memory_space<vmem>> -> memref<128xi32, #tpu.memory_space<vmem>>
    %dma_start3A_12 = arith.constant 0 : i32
    %dma_start3A_13 = arith.constant 0 : i32
    %dma_start3A_14 = tpu.memref_slice %arg2[%dma_start3A_12, %dma_start3A_13] : memref<160000x128xf32, #tpu.memory_space<hbm>> -> memref<160000x128xf32, #tpu.memory_space<hbm>>
    tpu.enqueue_indirect_dma source(%dma_start3A_14 : memref<160000x128xf32, #tpu.memory_space<hbm>>) target(%dma_start3A_10 : memref<128x128xf32, #tpu.memory_space<vmem>>) offsets(%dma_start3A_11 : memref<128xi32, #tpu.memory_space<vmem>>) semaphore(%arg8 : memref<!tpu.dma_semaphore, #tpu.memory_space<semaphore_mem>>)
    %scan3A = arith.constant 0 : i32
    %scan3A_15 = arith.constant 157 : i32
    %scan3A_16 = arith.addi %scan3A, %scan3A_15 : i32
    %scan3A_17 = arith.constant 1 : i32
    scf.for %scan3A_33 = %scan3A to %scan3A_16 step %scan3A_17  : i32 {
      %mul3A_34 = arith.constant 1 : i32
      %mul3A_35 = arith.muli %scan3A_33, %mul3A_34 : i32
      %add3A_36 = arith.constant 0 : i32
      %add3A_37 = arith.addi %mul3A_35, %add3A_36 : i32
      %mul3A_38 = arith.constant 128 : i32
      %mul3A_39 = arith.muli %add3A_37, %mul3A_38 : i32
      %multiple_of3A_40 = tpu.assume_multiple %mul3A_39, 128 : i32
      %dma_wait3A_41 = arith.constant 0 : i32
      %dma_wait3A_42 = arith.constant 0 : i32
      %dma_wait3A_43 = tpu.memref_slice %arg6[%dma_wait3A_41, %dma_wait3A_42] : memref<128x128xf32, #tpu.memory_space<vmem>> -> memref<128x128xf32, #tpu.memory_space<vmem>>
      %dma_wait3A_44 = tpu.memref_slice %arg5[%multiple_of3A_40] : memref<20096xi32, #tpu.memory_space<vmem>> -> memref<128xi32, #tpu.memory_space<vmem>>
      %dma_wait3A_45 = arith.constant 0 : i32
      %dma_wait3A_46 = arith.constant 0 : i32
      %dma_wait3A_47 = tpu.memref_slice %arg2[%dma_wait3A_45, %dma_wait3A_46] : memref<160000x128xf32, #tpu.memory_space<hbm>> -> memref<160000x128xf32, #tpu.memory_space<hbm>>
      tpu.wait_indirect_dma semaphore(%arg8 : memref<!tpu.dma_semaphore, #tpu.memory_space<semaphore_mem>>) src(%dma_wait3A_47 : memref<160000x128xf32, #tpu.memory_space<hbm>>) dst(%dma_wait3A_43 : memref<128x128xf32, #tpu.memory_space<vmem>>)
      %add3A_48 = arith.addi %mul3A_2, %add3A_37 : i32
      %dma_start3A_49 = arith.constant 0 : i32
      %dma_start3A_50 = arith.constant 0 : i32
      %dma_start3A_51 = tpu.memref_slice %arg6[%dma_start3A_49, %dma_start3A_50] : memref<128x128xf32, #tpu.memory_space<vmem>> -> memref<128x128xf32, #tpu.memory_space<vmem>>
      %dma_start3A_52 = arith.constant 0 : i32
      %dma_start3A_53 = arith.constant 0 : i32
      %dma_start3A_54 = tpu.memref_slice %arg4[%add3A_48, %dma_start3A_52, %dma_start3A_53] : memref<5024x128x128xf32, #tpu.memory_space<hbm>> -> memref<1x128x128xf32, #tpu.memory_space<hbm>>
      %dma_start3A_55 = tpu.memref_squeeze %dma_start3A_54 : memref<1x128x128xf32, #tpu.memory_space<hbm>> -> memref<128x128xf32, #tpu.memory_space<hbm>>
      %dma_start3A_56 = arith.constant 0 : i32
      %dma_start3A_57 = arith.constant 0 : i32
      %dma_start3A_58 = tpu.memref_slice %arg4[%add3A_48, %dma_start3A_56, %dma_start3A_57] : memref<5024x128x128xf32, #tpu.memory_space<hbm>> -> memref<1x128x128xf32, #tpu.memory_space<hbm>>
      %dma_start3A_59 = tpu.memref_squeeze %dma_start3A_58 : memref<1x128x128xf32, #tpu.memory_space<hbm>> -> memref<128x128xf32, #tpu.memory_space<hbm>>
      %dma_start3A_60 = arith.constant 0 : i32
      %dma_start3A_61 = arith.constant 0 : i32
      %dma_start3A_62 = tpu.memref_slice %arg6[%dma_start3A_60, %dma_start3A_61] : memref<128x128xf32, #tpu.memory_space<vmem>> -> memref<128x128xf32, #tpu.memory_space<vmem>>
      tpu.enqueue_dma source(%dma_start3A_62 : memref<128x128xf32, #tpu.memory_space<vmem>>) target(%dma_start3A_59 : memref<128x128xf32, #tpu.memory_space<hbm>>) target_semaphore(%arg9 : memref<!tpu.dma_semaphore, #tpu.memory_space<semaphore_mem>>)
      %lt3A = arith.constant 156 : i32
      %lt3A_63 = arith.cmpi slt, %scan3A_33, %lt3A : i32
      %convert_element_type3A = arith.extui %lt3A_63 : i1 to i32
      %cond3A = arith.constant 0 : i32
      %cond3A_64 = arith.cmpi ne, %convert_element_type3A, %cond3A : i32
      scf.if %cond3A_64 {
        %dma_wait3A_65 = arith.constant 0 : i32
        %dma_wait3A_66 = arith.constant 0 : i32
        %dma_wait3A_67 = tpu.memref_slice %arg6[%dma_wait3A_65, %dma_wait3A_66] : memref<128x128xf32, #tpu.memory_space<vmem>> -> memref<128x128xf32, #tpu.memory_space<vmem>>
        %dma_wait3A_68 = arith.constant 0 : i32
        %dma_wait3A_69 = arith.constant 0 : i32
        %dma_wait3A_70 = tpu.memref_slice %arg4[%add3A_48, %dma_wait3A_68, %dma_wait3A_69] : memref<5024x128x128xf32, #tpu.memory_space<hbm>> -> memref<1x128x128xf32, #tpu.memory_space<hbm>>
        %dma_wait3A_71 = tpu.memref_squeeze %dma_wait3A_70 : memref<1x128x128xf32, #tpu.memory_space<hbm>> -> memref<128x128xf32, #tpu.memory_space<hbm>>
        %dma_wait3A_72 = arith.constant 0 : i32
        %dma_wait3A_73 = arith.constant 0 : i32
        %dma_wait3A_74 = tpu.memref_slice %arg4[%add3A_48, %dma_wait3A_72, %dma_wait3A_73] : memref<5024x128x128xf32, #tpu.memory_space<hbm>> -> memref<1x128x128xf32, #tpu.memory_space<hbm>>
        %dma_wait3A_75 = tpu.memref_squeeze %dma_wait3A_74 : memref<1x128x128xf32, #tpu.memory_space<hbm>> -> memref<128x128xf32, #tpu.memory_space<hbm>>
        %dma_wait3A_76 = arith.constant 0 : i32
        %dma_wait3A_77 = arith.constant 0 : i32
        %dma_wait3A_78 = tpu.memref_slice %arg6[%dma_wait3A_76, %dma_wait3A_77] : memref<128x128xf32, #tpu.memory_space<vmem>> -> memref<128x128xf32, #tpu.memory_space<vmem>>
        tpu.wait_dma2 semaphore(%arg9 : memref<!tpu.dma_semaphore, #tpu.memory_space<semaphore_mem>>) src(%dma_wait3A_78 : memref<128x128xf32, #tpu.memory_space<vmem>>) dst(%dma_wait3A_75 : memref<128x128xf32, #tpu.memory_space<hbm>>)
        %add3A_79 = arith.constant 1 : i32
        %add3A_80 = arith.addi %add3A_37, %add3A_79 : i32
        %mul3A_81 = arith.constant 128 : i32
        %mul3A_82 = arith.muli %add3A_80, %mul3A_81 : i32
        %multiple_of3A_83 = tpu.assume_multiple %mul3A_82, 128 : i32
        %dma_start3A_84 = arith.constant 0 : i32
        %dma_start3A_85 = arith.constant 0 : i32
        %dma_start3A_86 = tpu.memref_slice %arg6[%dma_start3A_84, %dma_start3A_85] : memref<128x128xf32, #tpu.memory_space<vmem>> -> memref<128x128xf32, #tpu.memory_space<vmem>>
        %dma_start3A_87 = tpu.memref_slice %arg5[%multiple_of3A_83] : memref<20096xi32, #tpu.memory_space<vmem>> -> memref<128xi32, #tpu.memory_space<vmem>>
        %dma_start3A_88 = arith.constant 0 : i32
        %dma_start3A_89 = arith.constant 0 : i32
        %dma_start3A_90 = tpu.memref_slice %arg2[%dma_start3A_88, %dma_start3A_89] : memref<160000x128xf32, #tpu.memory_space<hbm>> -> memref<160000x128xf32, #tpu.memory_space<hbm>>
        tpu.enqueue_indirect_dma source(%dma_start3A_90 : memref<160000x128xf32, #tpu.memory_space<hbm>>) target(%dma_start3A_86 : memref<128x128xf32, #tpu.memory_space<vmem>>) offsets(%dma_start3A_87 : memref<128xi32, #tpu.memory_space<vmem>>) semaphore(%arg8 : memref<!tpu.dma_semaphore, #tpu.memory_space<semaphore_mem>>)
      } else {
      }
    }
    %scan3A_18 = arith.constant 157 : i32
    %dma_wait3A_19 = arith.constant 0 : i32
    %dma_wait3A_20 = arith.constant 0 : i32
    %dma_wait3A_21 = tpu.memref_slice %arg6[%dma_wait3A_19, %dma_wait3A_20] : memref<128x128xf32, #tpu.memory_space<vmem>> -> memref<128x128xf32, #tpu.memory_space<vmem>>
    %dma_wait3A_22 = arith.constant 0 : i32
    %dma_wait3A_23 = arith.constant 0 : i32
    %dma_wait3A_24 = tpu.memref_slice %arg4[%mul3A_2, %dma_wait3A_22, %dma_wait3A_23] : memref<5024x128x128xf32, #tpu.memory_space<hbm>> -> memref<1x128x128xf32, #tpu.memory_space<hbm>>
    %dma_wait3A_25 = tpu.memref_squeeze %dma_wait3A_24 : memref<1x128x128xf32, #tpu.memory_space<hbm>> -> memref<128x128xf32, #tpu.memory_space<hbm>>
    %dma_wait3A_26 = arith.constant 0 : i32
    %dma_wait3A_27 = arith.constant 0 : i32
    %dma_wait3A_28 = tpu.memref_slice %arg4[%mul3A_2, %dma_wait3A_26, %dma_wait3A_27] : memref<5024x128x128xf32, #tpu.memory_space<hbm>> -> memref<1x128x128xf32, #tpu.memory_space<hbm>>
    %dma_wait3A_29 = tpu.memref_squeeze %dma_wait3A_28 : memref<1x128x128xf32, #tpu.memory_space<hbm>> -> memref<128x128xf32, #tpu.memory_space<hbm>>
    %dma_wait3A_30 = arith.constant 0 : i32
    %dma_wait3A_31 = arith.constant 0 : i32
    %dma_wait3A_32 = tpu.memref_slice %arg6[%dma_wait3A_30, %dma_wait3A_31] : memref<128x128xf32, #tpu.memory_space<vmem>> -> memref<128x128xf32, #tpu.memory_space<vmem>>
    tpu.wait_dma2 semaphore(%arg9 : memref<!tpu.dma_semaphore, #tpu.memory_space<semaphore_mem>>) src(%dma_wait3A_32 : memref<128x128xf32, #tpu.memory_space<vmem>>) dst(%dma_wait3A_29 : memref<128x128xf32, #tpu.memory_space<hbm>>)
    return
  }
}

#map = affine_map<(d0, d1) -> (0, 0)>
#map1 = affine_map<(d0, d1) -> (0)>
#map2 = affine_map<(d0, d1) -> (0, 0, 0)>
module attributes {stable_mosaic.version = 14 : i64} {
  func.func @k(%arg0: i32, %arg1: i32, %arg2: memref<160000x128xf32, #tpu.memory_space<hbm>>, %arg3: memref<40960xi32, #tpu.memory_space<hbm>>, %arg4: memref<320x128x128xf32, #tpu.memory_space<hbm>>, %arg5: memref<1280xi32, #tpu.memory_space<vmem>>, %arg6: memref<256x128xf32, #tpu.memory_space<vmem>>, %arg7: memref<!tpu.dma_semaphore, #tpu.memory_space<semaphore_mem>>, %arg8: memref<!tpu.dma_semaphore, #tpu.memory_space<semaphore_mem>>, %arg9: memref<!tpu.dma_semaphore, #tpu.memory_space<semaphore_mem>>, %arg10: memref<!tpu.dma_semaphore, #tpu.memory_space<semaphore_mem>>, %arg11: memref<!tpu.dma_semaphore, #tpu.memory_space<semaphore_mem>>) attributes {dimension_semantics = [#tpu.dimension_semantics<core_parallel>, #tpu.dimension_semantics<subcore_parallel>], iteration_bounds = array<i64: 2, 16>, scalar_prefetch = 0 : i64, scratch_operands = 7 : i64, tpu.core_type = #tpu.core_type<sc_vector_subcore>, window_params = [{transform_indices = #map}, {transform_indices = #map1}, {transform_indices = #map2}]} {
    %mul3A = arith.constant 2 : i32
    %mul3A_0 = arith.muli %arg1, %mul3A : i32
    %add3A = arith.addi %mul3A_0, %arg0 : i32
    %mul3A_1 = arith.constant 10 : i32
    %mul3A_2 = arith.muli %add3A, %mul3A_1 : i32
    %mul3A_3 = arith.constant 128 : i32
    %mul3A_4 = arith.muli %mul3A_2, %mul3A_3 : i32
    %dma_start3A = tpu.memref_slice %arg3[%mul3A_4] : memref<40960xi32, #tpu.memory_space<hbm>> -> memref<1280xi32, #tpu.memory_space<hbm>>
    %dma_start3A_5 = tpu.memref_slice %arg3[%mul3A_4] : memref<40960xi32, #tpu.memory_space<hbm>> -> memref<1280xi32, #tpu.memory_space<hbm>>
    tpu.enqueue_dma source(%dma_start3A_5 : memref<1280xi32, #tpu.memory_space<hbm>>) target(%arg5 : memref<1280xi32, #tpu.memory_space<vmem>>) target_semaphore(%arg7 : memref<!tpu.dma_semaphore, #tpu.memory_space<semaphore_mem>>)
    %dma_wait3A = tpu.memref_slice %arg3[%mul3A_4] : memref<40960xi32, #tpu.memory_space<hbm>> -> memref<1280xi32, #tpu.memory_space<hbm>>
    %dma_wait3A_6 = tpu.memref_slice %arg3[%mul3A_4] : memref<40960xi32, #tpu.memory_space<hbm>> -> memref<1280xi32, #tpu.memory_space<hbm>>
    tpu.wait_dma2 semaphore(%arg7 : memref<!tpu.dma_semaphore, #tpu.memory_space<semaphore_mem>>) src(%dma_wait3A_6 : memref<1280xi32, #tpu.memory_space<hbm>>) dst(%arg5 : memref<1280xi32, #tpu.memory_space<vmem>>)
    %multiple_of3A = arith.constant 0 : i32
    %multiple_of3A_7 = tpu.assume_multiple %multiple_of3A, 128 : i32
    %dma_start3A_8 = arith.constant 0 : i32
    %dma_start3A_9 = arith.constant 0 : i32
    %dma_start3A_10 = tpu.memref_slice %arg6[%dma_start3A_8, %dma_start3A_9] : memref<256x128xf32, #tpu.memory_space<vmem>> -> memref<128x128xf32, #tpu.memory_space<vmem>>
    %dma_start3A_11 = tpu.memref_slice %arg5[%multiple_of3A_7] : memref<1280xi32, #tpu.memory_space<vmem>> -> memref<128xi32, #tpu.memory_space<vmem>>
    %dma_start3A_12 = arith.constant 0 : i32
    %dma_start3A_13 = arith.constant 0 : i32
    %dma_start3A_14 = tpu.memref_slice %arg2[%dma_start3A_12, %dma_start3A_13] : memref<160000x128xf32, #tpu.memory_space<hbm>> -> memref<160000x128xf32, #tpu.memory_space<hbm>>
    tpu.enqueue_indirect_dma source(%dma_start3A_14 : memref<160000x128xf32, #tpu.memory_space<hbm>>) target(%dma_start3A_10 : memref<128x128xf32, #tpu.memory_space<vmem>>) offsets(%dma_start3A_11 : memref<128xi32, #tpu.memory_space<vmem>>) semaphore(%arg8 : memref<!tpu.dma_semaphore, #tpu.memory_space<semaphore_mem>>)
    %multiple_of3A_15 = arith.constant 128 : i32
    %multiple_of3A_16 = tpu.assume_multiple %multiple_of3A_15, 128 : i32
    %dma_start3A_17 = arith.constant 128 : i32
    %dma_start3A_18 = arith.constant 0 : i32
    %dma_start3A_19 = tpu.memref_slice %arg6[%dma_start3A_17, %dma_start3A_18] : memref<256x128xf32, #tpu.memory_space<vmem>> -> memref<128x128xf32, #tpu.memory_space<vmem>>
    %dma_start3A_20 = tpu.memref_slice %arg5[%multiple_of3A_16] : memref<1280xi32, #tpu.memory_space<vmem>> -> memref<128xi32, #tpu.memory_space<vmem>>
    %dma_start3A_21 = arith.constant 0 : i32
    %dma_start3A_22 = arith.constant 0 : i32
    %dma_start3A_23 = tpu.memref_slice %arg2[%dma_start3A_21, %dma_start3A_22] : memref<160000x128xf32, #tpu.memory_space<hbm>> -> memref<160000x128xf32, #tpu.memory_space<hbm>>
    tpu.enqueue_indirect_dma source(%dma_start3A_23 : memref<160000x128xf32, #tpu.memory_space<hbm>>) target(%dma_start3A_19 : memref<128x128xf32, #tpu.memory_space<vmem>>) offsets(%dma_start3A_20 : memref<128xi32, #tpu.memory_space<vmem>>) semaphore(%arg9 : memref<!tpu.dma_semaphore, #tpu.memory_space<semaphore_mem>>)
    %scan3A = arith.constant 0 : i32
    %scan3A_24 = arith.constant 5 : i32
    %scan3A_25 = arith.addi %scan3A, %scan3A_24 : i32
    %scan3A_26 = arith.constant 1 : i32
    scf.for %scan3A_56 = %scan3A to %scan3A_25 step %scan3A_26  : i32 {
      %mul3A_57 = arith.constant 2 : i32
      %mul3A_58 = arith.muli %scan3A_56, %mul3A_57 : i32
      %add3A_59 = arith.constant 0 : i32
      %add3A_60 = arith.addi %mul3A_58, %add3A_59 : i32
      %mul3A_61 = arith.constant 128 : i32
      %mul3A_62 = arith.muli %add3A_60, %mul3A_61 : i32
      %multiple_of3A_63 = tpu.assume_multiple %mul3A_62, 128 : i32
      %dma_wait3A_64 = arith.constant 0 : i32
      %dma_wait3A_65 = arith.constant 0 : i32
      %dma_wait3A_66 = tpu.memref_slice %arg6[%dma_wait3A_64, %dma_wait3A_65] : memref<256x128xf32, #tpu.memory_space<vmem>> -> memref<128x128xf32, #tpu.memory_space<vmem>>
      %dma_wait3A_67 = tpu.memref_slice %arg5[%multiple_of3A_63] : memref<1280xi32, #tpu.memory_space<vmem>> -> memref<128xi32, #tpu.memory_space<vmem>>
      %dma_wait3A_68 = arith.constant 0 : i32
      %dma_wait3A_69 = arith.constant 0 : i32
      %dma_wait3A_70 = tpu.memref_slice %arg2[%dma_wait3A_68, %dma_wait3A_69] : memref<160000x128xf32, #tpu.memory_space<hbm>> -> memref<160000x128xf32, #tpu.memory_space<hbm>>
      tpu.wait_indirect_dma semaphore(%arg8 : memref<!tpu.dma_semaphore, #tpu.memory_space<semaphore_mem>>) src(%dma_wait3A_70 : memref<160000x128xf32, #tpu.memory_space<hbm>>) dst(%dma_wait3A_66 : memref<128x128xf32, #tpu.memory_space<vmem>>)
      %add3A_71 = arith.addi %mul3A_2, %add3A_60 : i32
      %dma_start3A_72 = arith.constant 0 : i32
      %dma_start3A_73 = arith.constant 0 : i32
      %dma_start3A_74 = tpu.memref_slice %arg6[%dma_start3A_72, %dma_start3A_73] : memref<256x128xf32, #tpu.memory_space<vmem>> -> memref<128x128xf32, #tpu.memory_space<vmem>>
      %dma_start3A_75 = arith.constant 0 : i32
      %dma_start3A_76 = arith.constant 0 : i32
      %dma_start3A_77 = tpu.memref_slice %arg4[%add3A_71, %dma_start3A_75, %dma_start3A_76] : memref<320x128x128xf32, #tpu.memory_space<hbm>> -> memref<1x128x128xf32, #tpu.memory_space<hbm>>
      %dma_start3A_78 = tpu.memref_squeeze %dma_start3A_77 : memref<1x128x128xf32, #tpu.memory_space<hbm>> -> memref<128x128xf32, #tpu.memory_space<hbm>>
      %dma_start3A_79 = arith.constant 0 : i32
      %dma_start3A_80 = arith.constant 0 : i32
      %dma_start3A_81 = tpu.memref_slice %arg4[%add3A_71, %dma_start3A_79, %dma_start3A_80] : memref<320x128x128xf32, #tpu.memory_space<hbm>> -> memref<1x128x128xf32, #tpu.memory_space<hbm>>
      %dma_start3A_82 = tpu.memref_squeeze %dma_start3A_81 : memref<1x128x128xf32, #tpu.memory_space<hbm>> -> memref<128x128xf32, #tpu.memory_space<hbm>>
      %dma_start3A_83 = arith.constant 0 : i32
      %dma_start3A_84 = arith.constant 0 : i32
      %dma_start3A_85 = tpu.memref_slice %arg6[%dma_start3A_83, %dma_start3A_84] : memref<256x128xf32, #tpu.memory_space<vmem>> -> memref<128x128xf32, #tpu.memory_space<vmem>>
      tpu.enqueue_dma source(%dma_start3A_85 : memref<128x128xf32, #tpu.memory_space<vmem>>) target(%dma_start3A_82 : memref<128x128xf32, #tpu.memory_space<hbm>>) target_semaphore(%arg10 : memref<!tpu.dma_semaphore, #tpu.memory_space<semaphore_mem>>)
      %lt3A = arith.constant 4 : i32
      %lt3A_86 = arith.cmpi slt, %scan3A_56, %lt3A : i32
      %convert_element_type3A = arith.extui %lt3A_86 : i1 to i32
      %cond3A = arith.constant 0 : i32
      %cond3A_87 = arith.cmpi ne, %convert_element_type3A, %cond3A : i32
      scf.if %cond3A_87 {
        %dma_wait3A_122 = arith.constant 0 : i32
        %dma_wait3A_123 = arith.constant 0 : i32
        %dma_wait3A_124 = tpu.memref_slice %arg6[%dma_wait3A_122, %dma_wait3A_123] : memref<256x128xf32, #tpu.memory_space<vmem>> -> memref<128x128xf32, #tpu.memory_space<vmem>>
        %dma_wait3A_125 = arith.constant 0 : i32
        %dma_wait3A_126 = arith.constant 0 : i32
        %dma_wait3A_127 = tpu.memref_slice %arg4[%add3A_71, %dma_wait3A_125, %dma_wait3A_126] : memref<320x128x128xf32, #tpu.memory_space<hbm>> -> memref<1x128x128xf32, #tpu.memory_space<hbm>>
        %dma_wait3A_128 = tpu.memref_squeeze %dma_wait3A_127 : memref<1x128x128xf32, #tpu.memory_space<hbm>> -> memref<128x128xf32, #tpu.memory_space<hbm>>
        %dma_wait3A_129 = arith.constant 0 : i32
        %dma_wait3A_130 = arith.constant 0 : i32
        %dma_wait3A_131 = tpu.memref_slice %arg4[%add3A_71, %dma_wait3A_129, %dma_wait3A_130] : memref<320x128x128xf32, #tpu.memory_space<hbm>> -> memref<1x128x128xf32, #tpu.memory_space<hbm>>
        %dma_wait3A_132 = tpu.memref_squeeze %dma_wait3A_131 : memref<1x128x128xf32, #tpu.memory_space<hbm>> -> memref<128x128xf32, #tpu.memory_space<hbm>>
        %dma_wait3A_133 = arith.constant 0 : i32
        %dma_wait3A_134 = arith.constant 0 : i32
        %dma_wait3A_135 = tpu.memref_slice %arg6[%dma_wait3A_133, %dma_wait3A_134] : memref<256x128xf32, #tpu.memory_space<vmem>> -> memref<128x128xf32, #tpu.memory_space<vmem>>
        tpu.wait_dma2 semaphore(%arg10 : memref<!tpu.dma_semaphore, #tpu.memory_space<semaphore_mem>>) src(%dma_wait3A_135 : memref<128x128xf32, #tpu.memory_space<vmem>>) dst(%dma_wait3A_132 : memref<128x128xf32, #tpu.memory_space<hbm>>)
        %add3A_136 = arith.constant 2 : i32
        %add3A_137 = arith.addi %add3A_60, %add3A_136 : i32
        %mul3A_138 = arith.constant 128 : i32
        %mul3A_139 = arith.muli %add3A_137, %mul3A_138 : i32
        %multiple_of3A_140 = tpu.assume_multiple %mul3A_139, 128 : i32
        %dma_start3A_141 = arith.constant 0 : i32
        %dma_start3A_142 = arith.constant 0 : i32
        %dma_start3A_143 = tpu.memref_slice %arg6[%dma_start3A_141, %dma_start3A_142] : memref<256x128xf32, #tpu.memory_space<vmem>> -> memref<128x128xf32, #tpu.memory_space<vmem>>
        %dma_start3A_144 = tpu.memref_slice %arg5[%multiple_of3A_140] : memref<1280xi32, #tpu.memory_space<vmem>> -> memref<128xi32, #tpu.memory_space<vmem>>
        %dma_start3A_145 = arith.constant 0 : i32
        %dma_start3A_146 = arith.constant 0 : i32
        %dma_start3A_147 = tpu.memref_slice %arg2[%dma_start3A_145, %dma_start3A_146] : memref<160000x128xf32, #tpu.memory_space<hbm>> -> memref<160000x128xf32, #tpu.memory_space<hbm>>
        tpu.enqueue_indirect_dma source(%dma_start3A_147 : memref<160000x128xf32, #tpu.memory_space<hbm>>) target(%dma_start3A_143 : memref<128x128xf32, #tpu.memory_space<vmem>>) offsets(%dma_start3A_144 : memref<128xi32, #tpu.memory_space<vmem>>) semaphore(%arg8 : memref<!tpu.dma_semaphore, #tpu.memory_space<semaphore_mem>>)
      } else {
      }
      %mul3A_88 = arith.constant 2 : i32
      %mul3A_89 = arith.muli %scan3A_56, %mul3A_88 : i32
      %add3A_90 = arith.constant 1 : i32
      %add3A_91 = arith.addi %mul3A_89, %add3A_90 : i32
      %mul3A_92 = arith.constant 128 : i32
      %mul3A_93 = arith.muli %add3A_91, %mul3A_92 : i32
      %multiple_of3A_94 = tpu.assume_multiple %mul3A_93, 128 : i32
      %dma_wait3A_95 = arith.constant 128 : i32
      %dma_wait3A_96 = arith.constant 0 : i32
      %dma_wait3A_97 = tpu.memref_slice %arg6[%dma_wait3A_95, %dma_wait3A_96] : memref<256x128xf32, #tpu.memory_space<vmem>> -> memref<128x128xf32, #tpu.memory_space<vmem>>
      %dma_wait3A_98 = tpu.memref_slice %arg5[%multiple_of3A_94] : memref<1280xi32, #tpu.memory_space<vmem>> -> memref<128xi32, #tpu.memory_space<vmem>>
      %dma_wait3A_99 = arith.constant 0 : i32
      %dma_wait3A_100 = arith.constant 0 : i32
      %dma_wait3A_101 = tpu.memref_slice %arg2[%dma_wait3A_99, %dma_wait3A_100] : memref<160000x128xf32, #tpu.memory_space<hbm>> -> memref<160000x128xf32, #tpu.memory_space<hbm>>
      tpu.wait_indirect_dma semaphore(%arg9 : memref<!tpu.dma_semaphore, #tpu.memory_space<semaphore_mem>>) src(%dma_wait3A_101 : memref<160000x128xf32, #tpu.memory_space<hbm>>) dst(%dma_wait3A_97 : memref<128x128xf32, #tpu.memory_space<vmem>>)
      %add3A_102 = arith.addi %mul3A_2, %add3A_91 : i32
      %dma_start3A_103 = arith.constant 128 : i32
      %dma_start3A_104 = arith.constant 0 : i32
      %dma_start3A_105 = tpu.memref_slice %arg6[%dma_start3A_103, %dma_start3A_104] : memref<256x128xf32, #tpu.memory_space<vmem>> -> memref<128x128xf32, #tpu.memory_space<vmem>>
      %dma_start3A_106 = arith.constant 0 : i32
      %dma_start3A_107 = arith.constant 0 : i32
      %dma_start3A_108 = tpu.memref_slice %arg4[%add3A_102, %dma_start3A_106, %dma_start3A_107] : memref<320x128x128xf32, #tpu.memory_space<hbm>> -> memref<1x128x128xf32, #tpu.memory_space<hbm>>
      %dma_start3A_109 = tpu.memref_squeeze %dma_start3A_108 : memref<1x128x128xf32, #tpu.memory_space<hbm>> -> memref<128x128xf32, #tpu.memory_space<hbm>>
      %dma_start3A_110 = arith.constant 0 : i32
      %dma_start3A_111 = arith.constant 0 : i32
      %dma_start3A_112 = tpu.memref_slice %arg4[%add3A_102, %dma_start3A_110, %dma_start3A_111] : memref<320x128x128xf32, #tpu.memory_space<hbm>> -> memref<1x128x128xf32, #tpu.memory_space<hbm>>
      %dma_start3A_113 = tpu.memref_squeeze %dma_start3A_112 : memref<1x128x128xf32, #tpu.memory_space<hbm>> -> memref<128x128xf32, #tpu.memory_space<hbm>>
      %dma_start3A_114 = arith.constant 128 : i32
      %dma_start3A_115 = arith.constant 0 : i32
      %dma_start3A_116 = tpu.memref_slice %arg6[%dma_start3A_114, %dma_start3A_115] : memref<256x128xf32, #tpu.memory_space<vmem>> -> memref<128x128xf32, #tpu.memory_space<vmem>>
      tpu.enqueue_dma source(%dma_start3A_116 : memref<128x128xf32, #tpu.memory_space<vmem>>) target(%dma_start3A_113 : memref<128x128xf32, #tpu.memory_space<hbm>>) target_semaphore(%arg11 : memref<!tpu.dma_semaphore, #tpu.memory_space<semaphore_mem>>)
      %lt3A_117 = arith.constant 4 : i32
      %lt3A_118 = arith.cmpi slt, %scan3A_56, %lt3A_117 : i32
      %convert_element_type3A_119 = arith.extui %lt3A_118 : i1 to i32
      %cond3A_120 = arith.constant 0 : i32
      %cond3A_121 = arith.cmpi ne, %convert_element_type3A_119, %cond3A_120 : i32
      scf.if %cond3A_121 {
        %dma_wait3A_122 = arith.constant 128 : i32
        %dma_wait3A_123 = arith.constant 0 : i32
        %dma_wait3A_124 = tpu.memref_slice %arg6[%dma_wait3A_122, %dma_wait3A_123] : memref<256x128xf32, #tpu.memory_space<vmem>> -> memref<128x128xf32, #tpu.memory_space<vmem>>
        %dma_wait3A_125 = arith.constant 0 : i32
        %dma_wait3A_126 = arith.constant 0 : i32
        %dma_wait3A_127 = tpu.memref_slice %arg4[%add3A_102, %dma_wait3A_125, %dma_wait3A_126] : memref<320x128x128xf32, #tpu.memory_space<hbm>> -> memref<1x128x128xf32, #tpu.memory_space<hbm>>
        %dma_wait3A_128 = tpu.memref_squeeze %dma_wait3A_127 : memref<1x128x128xf32, #tpu.memory_space<hbm>> -> memref<128x128xf32, #tpu.memory_space<hbm>>
        %dma_wait3A_129 = arith.constant 0 : i32
        %dma_wait3A_130 = arith.constant 0 : i32
        %dma_wait3A_131 = tpu.memref_slice %arg4[%add3A_102, %dma_wait3A_129, %dma_wait3A_130] : memref<320x128x128xf32, #tpu.memory_space<hbm>> -> memref<1x128x128xf32, #tpu.memory_space<hbm>>
        %dma_wait3A_132 = tpu.memref_squeeze %dma_wait3A_131 : memref<1x128x128xf32, #tpu.memory_space<hbm>> -> memref<128x128xf32, #tpu.memory_space<hbm>>
        %dma_wait3A_133 = arith.constant 128 : i32
        %dma_wait3A_134 = arith.constant 0 : i32
        %dma_wait3A_135 = tpu.memref_slice %arg6[%dma_wait3A_133, %dma_wait3A_134] : memref<256x128xf32, #tpu.memory_space<vmem>> -> memref<128x128xf32, #tpu.memory_space<vmem>>
        tpu.wait_dma2 semaphore(%arg11 : memref<!tpu.dma_semaphore, #tpu.memory_space<semaphore_mem>>) src(%dma_wait3A_135 : memref<128x128xf32, #tpu.memory_space<vmem>>) dst(%dma_wait3A_132 : memref<128x128xf32, #tpu.memory_space<hbm>>)
        %add3A_136 = arith.constant 2 : i32
        %add3A_137 = arith.addi %add3A_91, %add3A_136 : i32
        %mul3A_138 = arith.constant 128 : i32
        %mul3A_139 = arith.muli %add3A_137, %mul3A_138 : i32
        %multiple_of3A_140 = tpu.assume_multiple %mul3A_139, 128 : i32
        %dma_start3A_141 = arith.constant 128 : i32
        %dma_start3A_142 = arith.constant 0 : i32
        %dma_start3A_143 = tpu.memref_slice %arg6[%dma_start3A_141, %dma_start3A_142] : memref<256x128xf32, #tpu.memory_space<vmem>> -> memref<128x128xf32, #tpu.memory_space<vmem>>
        %dma_start3A_144 = tpu.memref_slice %arg5[%multiple_of3A_140] : memref<1280xi32, #tpu.memory_space<vmem>> -> memref<128xi32, #tpu.memory_space<vmem>>
        %dma_start3A_145 = arith.constant 0 : i32
        %dma_start3A_146 = arith.constant 0 : i32
        %dma_start3A_147 = tpu.memref_slice %arg2[%dma_start3A_145, %dma_start3A_146] : memref<160000x128xf32, #tpu.memory_space<hbm>> -> memref<160000x128xf32, #tpu.memory_space<hbm>>
        tpu.enqueue_indirect_dma source(%dma_start3A_147 : memref<160000x128xf32, #tpu.memory_space<hbm>>) target(%dma_start3A_143 : memref<128x128xf32, #tpu.memory_space<vmem>>) offsets(%dma_start3A_144 : memref<128xi32, #tpu.memory_space<vmem>>) semaphore(%arg9 : memref<!tpu.dma_semaphore, #tpu.memory_space<semaphore_mem>>)
      } else {
      }
    }
    %scan3A_27 = arith.constant 5 : i32
    %dma_wait3A_28 = arith.constant 0 : i32
    %dma_wait3A_29 = arith.constant 0 : i32
    %dma_wait3A_30 = tpu.memref_slice %arg6[%dma_wait3A_28, %dma_wait3A_29] : memref<256x128xf32, #tpu.memory_space<vmem>> -> memref<128x128xf32, #tpu.memory_space<vmem>>
    %dma_wait3A_31 = arith.constant 0 : i32
    %dma_wait3A_32 = arith.constant 0 : i32
    %dma_wait3A_33 = tpu.memref_slice %arg4[%mul3A_2, %dma_wait3A_31, %dma_wait3A_32] : memref<320x128x128xf32, #tpu.memory_space<hbm>> -> memref<1x128x128xf32, #tpu.memory_space<hbm>>
    %dma_wait3A_34 = tpu.memref_squeeze %dma_wait3A_33 : memref<1x128x128xf32, #tpu.memory_space<hbm>> -> memref<128x128xf32, #tpu.memory_space<hbm>>
    %dma_wait3A_35 = arith.constant 0 : i32
    %dma_wait3A_36 = arith.constant 0 : i32
    %dma_wait3A_37 = tpu.memref_slice %arg4[%mul3A_2, %dma_wait3A_35, %dma_wait3A_36] : memref<320x128x128xf32, #tpu.memory_space<hbm>> -> memref<1x128x128xf32, #tpu.memory_space<hbm>>
    %dma_wait3A_38 = tpu.memref_squeeze %dma_wait3A_37 : memref<1x128x128xf32, #tpu.memory_space<hbm>> -> memref<128x128xf32, #tpu.memory_space<hbm>>
    %dma_wait3A_39 = arith.constant 0 : i32
    %dma_wait3A_40 = arith.constant 0 : i32
    %dma_wait3A_41 = tpu.memref_slice %arg6[%dma_wait3A_39, %dma_wait3A_40] : memref<256x128xf32, #tpu.memory_space<vmem>> -> memref<128x128xf32, #tpu.memory_space<vmem>>
    tpu.wait_dma2 semaphore(%arg10 : memref<!tpu.dma_semaphore, #tpu.memory_space<semaphore_mem>>) src(%dma_wait3A_41 : memref<128x128xf32, #tpu.memory_space<vmem>>) dst(%dma_wait3A_38 : memref<128x128xf32, #tpu.memory_space<hbm>>)
    %dma_wait3A_42 = arith.constant 128 : i32
    %dma_wait3A_43 = arith.constant 0 : i32
    %dma_wait3A_44 = tpu.memref_slice %arg6[%dma_wait3A_42, %dma_wait3A_43] : memref<256x128xf32, #tpu.memory_space<vmem>> -> memref<128x128xf32, #tpu.memory_space<vmem>>
    %dma_wait3A_45 = arith.constant 0 : i32
    %dma_wait3A_46 = arith.constant 0 : i32
    %dma_wait3A_47 = tpu.memref_slice %arg4[%mul3A_2, %dma_wait3A_45, %dma_wait3A_46] : memref<320x128x128xf32, #tpu.memory_space<hbm>> -> memref<1x128x128xf32, #tpu.memory_space<hbm>>
    %dma_wait3A_48 = tpu.memref_squeeze %dma_wait3A_47 : memref<1x128x128xf32, #tpu.memory_space<hbm>> -> memref<128x128xf32, #tpu.memory_space<hbm>>
    %dma_wait3A_49 = arith.constant 0 : i32
    %dma_wait3A_50 = arith.constant 0 : i32
    %dma_wait3A_51 = tpu.memref_slice %arg4[%mul3A_2, %dma_wait3A_49, %dma_wait3A_50] : memref<320x128x128xf32, #tpu.memory_space<hbm>> -> memref<1x128x128xf32, #tpu.memory_space<hbm>>
    %dma_wait3A_52 = tpu.memref_squeeze %dma_wait3A_51 : memref<1x128x128xf32, #tpu.memory_space<hbm>> -> memref<128x128xf32, #tpu.memory_space<hbm>>
    %dma_wait3A_53 = arith.constant 128 : i32
    %dma_wait3A_54 = arith.constant 0 : i32
    %dma_wait3A_55 = tpu.memref_slice %arg6[%dma_wait3A_53, %dma_wait3A_54] : memref<256x128xf32, #tpu.memory_space<vmem>> -> memref<128x128xf32, #tpu.memory_space<vmem>>
    tpu.wait_dma2 semaphore(%arg11 : memref<!tpu.dma_semaphore, #tpu.memory_space<semaphore_mem>>) src(%dma_wait3A_55 : memref<128x128xf32, #tpu.memory_space<vmem>>) dst(%dma_wait3A_52 : memref<128x128xf32, #tpu.memory_space<hbm>>)
    return
  }
}

#map = affine_map<(d0, d1) -> (0, 0)>
#map1 = affine_map<(d0, d1) -> (0)>
#map2 = affine_map<(d0, d1) -> (0, 0, 0)>
module attributes {stable_mosaic.version = 14 : i64} {
  func.func @k(%arg0: i32, %arg1: i32, %arg2: memref<160000x128xf32, #tpu.memory_space<hbm>>, %arg3: memref<643072xi32, #tpu.memory_space<hbm>>, %arg4: memref<5024x128x128xf32, #tpu.memory_space<hbm>>, %arg5: memref<20096xi32, #tpu.memory_space<vmem>>, %arg6: memref<128x128xf32, #tpu.memory_space<vmem>>, %arg7: memref<!tpu.dma_semaphore, #tpu.memory_space<semaphore_mem>>, %arg8: memref<!tpu.dma_semaphore, #tpu.memory_space<semaphore_mem>>, %arg9: memref<!tpu.dma_semaphore, #tpu.memory_space<semaphore_mem>>) attributes {dimension_semantics = [#tpu.dimension_semantics<core_parallel>, #tpu.dimension_semantics<subcore_parallel>], iteration_bounds = array<i64: 2, 16>, scalar_prefetch = 0 : i64, scratch_operands = 5 : i64, tpu.core_type = #tpu.core_type<sc_vector_subcore>, window_params = [{transform_indices = #map}, {transform_indices = #map1}, {transform_indices = #map2}]} {
    %mul3A = arith.constant 2 : i32
    %mul3A_0 = arith.muli %arg1, %mul3A : i32
    %add3A = arith.addi %mul3A_0, %arg0 : i32
    %mul3A_1 = arith.constant 157 : i32
    %mul3A_2 = arith.muli %add3A, %mul3A_1 : i32
    %mul3A_3 = arith.constant 128 : i32
    %mul3A_4 = arith.muli %mul3A_2, %mul3A_3 : i32
    %dma_start3A = tpu.memref_slice %arg3[%mul3A_4] : memref<643072xi32, #tpu.memory_space<hbm>> -> memref<20096xi32, #tpu.memory_space<hbm>>
    %dma_start3A_5 = tpu.memref_slice %arg3[%mul3A_4] : memref<643072xi32, #tpu.memory_space<hbm>> -> memref<20096xi32, #tpu.memory_space<hbm>>
    tpu.enqueue_dma source(%dma_start3A_5 : memref<20096xi32, #tpu.memory_space<hbm>>) target(%arg5 : memref<20096xi32, #tpu.memory_space<vmem>>) target_semaphore(%arg7 : memref<!tpu.dma_semaphore, #tpu.memory_space<semaphore_mem>>)
    %dma_wait3A = tpu.memref_slice %arg3[%mul3A_4] : memref<643072xi32, #tpu.memory_space<hbm>> -> memref<20096xi32, #tpu.memory_space<hbm>>
    %dma_wait3A_6 = tpu.memref_slice %arg3[%mul3A_4] : memref<643072xi32, #tpu.memory_space<hbm>> -> memref<20096xi32, #tpu.memory_space<hbm>>
    tpu.wait_dma2 semaphore(%arg7 : memref<!tpu.dma_semaphore, #tpu.memory_space<semaphore_mem>>) src(%dma_wait3A_6 : memref<20096xi32, #tpu.memory_space<hbm>>) dst(%arg5 : memref<20096xi32, #tpu.memory_space<vmem>>)
    %multiple_of3A = arith.constant 0 : i32
    %multiple_of3A_7 = tpu.assume_multiple %multiple_of3A, 128 : i32
    %dma_start3A_8 = arith.constant 0 : i32
    %dma_start3A_9 = arith.constant 0 : i32
    %dma_start3A_10 = tpu.memref_slice %arg6[%dma_start3A_8, %dma_start3A_9] : memref<128x128xf32, #tpu.memory_space<vmem>> -> memref<128x128xf32, #tpu.memory_space<vmem>>
    %dma_start3A_11 = tpu.memref_slice %arg5[%multiple_of3A_7] : memref<20096xi32, #tpu.memory_space<vmem>> -> memref<128xi32, #tpu.memory_space<vmem>>
    %dma_start3A_12 = arith.constant 0 : i32
    %dma_start3A_13 = arith.constant 0 : i32
    %dma_start3A_14 = tpu.memref_slice %arg2[%dma_start3A_12, %dma_start3A_13] : memref<160000x128xf32, #tpu.memory_space<hbm>> -> memref<160000x128xf32, #tpu.memory_space<hbm>>
    tpu.enqueue_indirect_dma source(%dma_start3A_14 : memref<160000x128xf32, #tpu.memory_space<hbm>>) target(%dma_start3A_10 : memref<128x128xf32, #tpu.memory_space<vmem>>) offsets(%dma_start3A_11 : memref<128xi32, #tpu.memory_space<vmem>>) semaphore(%arg8 : memref<!tpu.dma_semaphore, #tpu.memory_space<semaphore_mem>>)
    %scan3A = arith.constant 0 : i32
    %scan3A_15 = arith.constant 157 : i32
    %scan3A_16 = arith.addi %scan3A, %scan3A_15 : i32
    %scan3A_17 = arith.constant 1 : i32
    scf.for %scan3A_33 = %scan3A to %scan3A_16 step %scan3A_17  : i32 {
      %mul3A_34 = arith.constant 1 : i32
      %mul3A_35 = arith.muli %scan3A_33, %mul3A_34 : i32
      %add3A_36 = arith.constant 0 : i32
      %add3A_37 = arith.addi %mul3A_35, %add3A_36 : i32
      %mul3A_38 = arith.constant 128 : i32
      %mul3A_39 = arith.muli %add3A_37, %mul3A_38 : i32
      %multiple_of3A_40 = tpu.assume_multiple %mul3A_39, 128 : i32
      %dma_wait3A_41 = arith.constant 0 : i32
      %dma_wait3A_42 = arith.constant 0 : i32
      %dma_wait3A_43 = tpu.memref_slice %arg6[%dma_wait3A_41, %dma_wait3A_42] : memref<128x128xf32, #tpu.memory_space<vmem>> -> memref<128x128xf32, #tpu.memory_space<vmem>>
      %dma_wait3A_44 = tpu.memref_slice %arg5[%multiple_of3A_40] : memref<20096xi32, #tpu.memory_space<vmem>> -> memref<128xi32, #tpu.memory_space<vmem>>
      %dma_wait3A_45 = arith.constant 0 : i32
      %dma_wait3A_46 = arith.constant 0 : i32
      %dma_wait3A_47 = tpu.memref_slice %arg2[%dma_wait3A_45, %dma_wait3A_46] : memref<160000x128xf32, #tpu.memory_space<hbm>> -> memref<160000x128xf32, #tpu.memory_space<hbm>>
      tpu.wait_indirect_dma semaphore(%arg8 : memref<!tpu.dma_semaphore, #tpu.memory_space<semaphore_mem>>) src(%dma_wait3A_47 : memref<160000x128xf32, #tpu.memory_space<hbm>>) dst(%dma_wait3A_43 : memref<128x128xf32, #tpu.memory_space<vmem>>)
      %add3A_48 = arith.addi %mul3A_2, %add3A_37 : i32
      %dma_start3A_49 = arith.constant 0 : i32
      %dma_start3A_50 = arith.constant 0 : i32
      %dma_start3A_51 = tpu.memref_slice %arg6[%dma_start3A_49, %dma_start3A_50] : memref<128x128xf32, #tpu.memory_space<vmem>> -> memref<128x128xf32, #tpu.memory_space<vmem>>
      %dma_start3A_52 = arith.constant 0 : i32
      %dma_start3A_53 = arith.constant 0 : i32
      %dma_start3A_54 = tpu.memref_slice %arg4[%add3A_48, %dma_start3A_52, %dma_start3A_53] : memref<5024x128x128xf32, #tpu.memory_space<hbm>> -> memref<1x128x128xf32, #tpu.memory_space<hbm>>
      %dma_start3A_55 = tpu.memref_squeeze %dma_start3A_54 : memref<1x128x128xf32, #tpu.memory_space<hbm>> -> memref<128x128xf32, #tpu.memory_space<hbm>>
      %dma_start3A_56 = arith.constant 0 : i32
      %dma_start3A_57 = arith.constant 0 : i32
      %dma_start3A_58 = tpu.memref_slice %arg4[%add3A_48, %dma_start3A_56, %dma_start3A_57] : memref<5024x128x128xf32, #tpu.memory_space<hbm>> -> memref<1x128x128xf32, #tpu.memory_space<hbm>>
      %dma_start3A_59 = tpu.memref_squeeze %dma_start3A_58 : memref<1x128x128xf32, #tpu.memory_space<hbm>> -> memref<128x128xf32, #tpu.memory_space<hbm>>
      %dma_start3A_60 = arith.constant 0 : i32
      %dma_start3A_61 = arith.constant 0 : i32
      %dma_start3A_62 = tpu.memref_slice %arg6[%dma_start3A_60, %dma_start3A_61] : memref<128x128xf32, #tpu.memory_space<vmem>> -> memref<128x128xf32, #tpu.memory_space<vmem>>
      tpu.enqueue_dma source(%dma_start3A_62 : memref<128x128xf32, #tpu.memory_space<vmem>>) target(%dma_start3A_59 : memref<128x128xf32, #tpu.memory_space<hbm>>) target_semaphore(%arg9 : memref<!tpu.dma_semaphore, #tpu.memory_space<semaphore_mem>>)
      %lt3A = arith.constant 156 : i32
      %lt3A_63 = arith.cmpi slt, %scan3A_33, %lt3A : i32
      %convert_element_type3A = arith.extui %lt3A_63 : i1 to i32
      %cond3A = arith.constant 0 : i32
      %cond3A_64 = arith.cmpi ne, %convert_element_type3A, %cond3A : i32
      scf.if %cond3A_64 {
        %dma_wait3A_65 = arith.constant 0 : i32
        %dma_wait3A_66 = arith.constant 0 : i32
        %dma_wait3A_67 = tpu.memref_slice %arg6[%dma_wait3A_65, %dma_wait3A_66] : memref<128x128xf32, #tpu.memory_space<vmem>> -> memref<128x128xf32, #tpu.memory_space<vmem>>
        %dma_wait3A_68 = arith.constant 0 : i32
        %dma_wait3A_69 = arith.constant 0 : i32
        %dma_wait3A_70 = tpu.memref_slice %arg4[%add3A_48, %dma_wait3A_68, %dma_wait3A_69] : memref<5024x128x128xf32, #tpu.memory_space<hbm>> -> memref<1x128x128xf32, #tpu.memory_space<hbm>>
        %dma_wait3A_71 = tpu.memref_squeeze %dma_wait3A_70 : memref<1x128x128xf32, #tpu.memory_space<hbm>> -> memref<128x128xf32, #tpu.memory_space<hbm>>
        %dma_wait3A_72 = arith.constant 0 : i32
        %dma_wait3A_73 = arith.constant 0 : i32
        %dma_wait3A_74 = tpu.memref_slice %arg4[%add3A_48, %dma_wait3A_72, %dma_wait3A_73] : memref<5024x128x128xf32, #tpu.memory_space<hbm>> -> memref<1x128x128xf32, #tpu.memory_space<hbm>>
        %dma_wait3A_75 = tpu.memref_squeeze %dma_wait3A_74 : memref<1x128x128xf32, #tpu.memory_space<hbm>> -> memref<128x128xf32, #tpu.memory_space<hbm>>
        %dma_wait3A_76 = arith.constant 0 : i32
        %dma_wait3A_77 = arith.constant 0 : i32
        %dma_wait3A_78 = tpu.memref_slice %arg6[%dma_wait3A_76, %dma_wait3A_77] : memref<128x128xf32, #tpu.memory_space<vmem>> -> memref<128x128xf32, #tpu.memory_space<vmem>>
        tpu.wait_dma2 semaphore(%arg9 : memref<!tpu.dma_semaphore, #tpu.memory_space<semaphore_mem>>) src(%dma_wait3A_78 : memref<128x128xf32, #tpu.memory_space<vmem>>) dst(%dma_wait3A_75 : memref<128x128xf32, #tpu.memory_space<hbm>>)
        %add3A_79 = arith.constant 1 : i32
        %add3A_80 = arith.addi %add3A_37, %add3A_79 : i32
        %mul3A_81 = arith.constant 128 : i32
        %mul3A_82 = arith.muli %add3A_80, %mul3A_81 : i32
        %multiple_of3A_83 = tpu.assume_multiple %mul3A_82, 128 : i32
        %dma_start3A_84 = arith.constant 0 : i32
        %dma_start3A_85 = arith.constant 0 : i32
        %dma_start3A_86 = tpu.memref_slice %arg6[%dma_start3A_84, %dma_start3A_85] : memref<128x128xf32, #tpu.memory_space<vmem>> -> memref<128x128xf32, #tpu.memory_space<vmem>>
        %dma_start3A_87 = tpu.memref_slice %arg5[%multiple_of3A_83] : memref<20096xi32, #tpu.memory_space<vmem>> -> memref<128xi32, #tpu.memory_space<vmem>>
        %dma_start3A_88 = arith.constant 0 : i32
        %dma_start3A_89 = arith.constant 0 : i32
        %dma_start3A_90 = tpu.memref_slice %arg2[%dma_start3A_88, %dma_start3A_89] : memref<160000x128xf32, #tpu.memory_space<hbm>> -> memref<160000x128xf32, #tpu.memory_space<hbm>>
        tpu.enqueue_indirect_dma source(%dma_start3A_90 : memref<160000x128xf32, #tpu.memory_space<hbm>>) target(%dma_start3A_86 : memref<128x128xf32, #tpu.memory_space<vmem>>) offsets(%dma_start3A_87 : memref<128xi32, #tpu.memory_space<vmem>>) semaphore(%arg8 : memref<!tpu.dma_semaphore, #tpu.memory_space<semaphore_mem>>)
      } else {
      }
    }
    %scan3A_18 = arith.constant 157 : i32
    %dma_wait3A_19 = arith.constant 0 : i32
    %dma_wait3A_20 = arith.constant 0 : i32
    %dma_wait3A_21 = tpu.memref_slice %arg6[%dma_wait3A_19, %dma_wait3A_20] : memref<128x128xf32, #tpu.memory_space<vmem>> -> memref<128x128xf32, #tpu.memory_space<vmem>>
    %dma_wait3A_22 = arith.constant 0 : i32
    %dma_wait3A_23 = arith.constant 0 : i32
    %dma_wait3A_24 = tpu.memref_slice %arg4[%mul3A_2, %dma_wait3A_22, %dma_wait3A_23] : memref<5024x128x128xf32, #tpu.memory_space<hbm>> -> memref<1x128x128xf32, #tpu.memory_space<hbm>>
    %dma_wait3A_25 = tpu.memref_squeeze %dma_wait3A_24 : memref<1x128x128xf32, #tpu.memory_space<hbm>> -> memref<128x128xf32, #tpu.memory_space<hbm>>
    %dma_wait3A_26 = arith.constant 0 : i32
    %dma_wait3A_27 = arith.constant 0 : i32
    %dma_wait3A_28 = tpu.memref_slice %arg4[%mul3A_2, %dma_wait3A_26, %dma_wait3A_27] : memref<5024x128x128xf32, #tpu.memory_space<hbm>> -> memref<1x128x128xf32, #tpu.memory_space<hbm>>
    %dma_wait3A_29 = tpu.memref_squeeze %dma_wait3A_28 : memref<1x128x128xf32, #tpu.memory_space<hbm>> -> memref<128x128xf32, #tpu.memory_space<hbm>>
    %dma_wait3A_30 = arith.constant 0 : i32
    %dma_wait3A_31 = arith.constant 0 : i32
    %dma_wait3A_32 = tpu.memref_slice %arg6[%dma_wait3A_30, %dma_wait3A_31] : memref<128x128xf32, #tpu.memory_space<vmem>> -> memref<128x128xf32, #tpu.memory_space<vmem>>
    tpu.wait_dma2 semaphore(%arg9 : memref<!tpu.dma_semaphore, #tpu.memory_space<semaphore_mem>>) src(%dma_wait3A_32 : memref<128x128xf32, #tpu.memory_space<vmem>>) dst(%dma_wait3A_29 : memref<128x128xf32, #tpu.memory_space<hbm>>)
    return
  }
}

module attributes {stable_mosaic.version = 14 : i64} {
  func.func @body(%arg0: i32, %arg1: memref<5x128x128xf32, #tpu.memory_space<vmem>>, %arg2: memref<5x128x128xf32, #tpu.memory_space<vmem>>, %arg3: memref<5x128x128xf32, #tpu.memory_space<vmem>>, %arg4: memref<5x128x128xf32, #tpu.memory_space<vmem>>, %arg5: memref<640x16xf32, #tpu.memory_space<vmem>>, %arg6: memref<16x384xf32, #tpu.memory_space<vmem>>, %arg7: memref<1x384xf32, #tpu.memory_space<vmem>>, %arg8: memref<128x128xf32, #tpu.memory_space<vmem>>, %arg9: memref<1x128xf32, #tpu.memory_space<vmem>>, %arg10: memref<128x128xf32, #tpu.memory_space<vmem>>, %arg11: memref<128x128xf32, #tpu.memory_space<vmem>>, %arg12: memref<640x128xf32, #tpu.memory_space<vmem>>) attributes {dimension_semantics = [#tpu.dimension_semantics<arbitrary>], iteration_bounds = array<i64: 250>, scalar_prefetch = 0 : i64, scratch_operands = 0 : i64, tpu.core_type = #tpu.core_type<tc>, window_params = [{transform_indices = @transform_0, window_bounds = array<i64: 5, 128, 128>}, {transform_indices = @transform_1, window_bounds = array<i64: 5, 128, 128>}, {transform_indices = @transform_2, window_bounds = array<i64: 5, 128, 128>}, {transform_indices = @transform_3, window_bounds = array<i64: 5, 128, 128>}, {transform_indices = @transform_4, window_bounds = array<i64: 640, 16>}, {pipeline_mode = #tpu.pipeline_mode<synchronous>, transform_indices = @transform_5, window_bounds = array<i64: 16, 384>}, {pipeline_mode = #tpu.pipeline_mode<synchronous>, transform_indices = @transform_6, window_bounds = array<i64: 1, 384>}, {pipeline_mode = #tpu.pipeline_mode<synchronous>, transform_indices = @transform_7, window_bounds = array<i64: 128, 128>}, {pipeline_mode = #tpu.pipeline_mode<synchronous>, transform_indices = @transform_8, window_bounds = array<i64: 1, 128>}, {pipeline_mode = #tpu.pipeline_mode<synchronous>, transform_indices = @transform_9, window_bounds = array<i64: 128, 128>}, {pipeline_mode = #tpu.pipeline_mode<synchronous>, transform_indices = @transform_10, window_bounds = array<i64: 128, 128>}, {transform_indices = @transform_11, window_bounds = array<i64: 640, 128>}]} {
    %get3A = arith.constant 0 : index
    %get3A_0 = arith.constant 0 : index
    %get3A_1 = vector.load %arg5[%get3A, %get3A_0] : memref<640x16xf32, #tpu.memory_space<vmem>>, vector<640x16xf32>
    %get3A_2 = arith.constant 0 : index
    %get3A_3 = arith.constant 0 : index
    %get3A_4 = vector.load %arg6[%get3A_2, %get3A_3] : memref<16x384xf32, #tpu.memory_space<vmem>>, vector<16x384xf32>
    %dot_general3A = arith.constant dense<0.000000e+00> : vector<640x384xf32>
    %dot_general3A_5 = tpu.matmul %get3A_1, %get3A_4, %dot_general3A {dimension_numbers = #tpu.dot_dimension_numbers<[1], [0], [0], [1], [0, 0, 1, 1], [], []>, transpose_lhs_hint = false} : vector<640x16xf32>, vector<16x384xf32>, vector<640x384xf32> -> vector<640x384xf32>
    %get3A_6 = arith.constant 0 : index
    %get3A_7 = arith.constant 0 : index
    %get3A_8 = vector.load %arg7[%get3A_6, %get3A_7] : memref<1x384xf32, #tpu.memory_space<vmem>>, vector<1x384xf32>
    %add3A = vector.broadcast %get3A_8 : vector<1x384xf32> to vector<640x384xf32>
    %add3A_9 = arith.addf %dot_general3A_5, %add3A : vector<640x384xf32>
    %slice3A = vector.extract_strided_slice %add3A_9 {offsets = [0, 0], sizes = [640, 128], strides = [1, 1]} : vector<640x384xf32> to vector<640x128xf32>
    %slice3A_10 = vector.extract_strided_slice %add3A_9 {offsets = [0, 128], sizes = [640, 128], strides = [1, 1]} : vector<640x384xf32> to vector<640x128xf32>
    %slice3A_11 = vector.extract_strided_slice %add3A_9 {offsets = [0, 256], sizes = [640, 128], strides = [1, 1]} : vector<640x384xf32> to vector<640x128xf32>
    %broadcast_in_dim3A = arith.constant 0.000000e+00 : f32
    %broadcast_in_dim3A_12 = vector.broadcast %broadcast_in_dim3A : f32 to vector<640x128xf32>
    %broadcast_in_dim3A_13 = arith.constant 0.000000e+00 : f32
    %broadcast_in_dim3A_14 = vector.broadcast %broadcast_in_dim3A_13 : f32 to vector<640x128xf32>
    %get3A_15 = arith.constant 0 : index
    %get3A_16 = arith.constant 0 : index
    %get3A_17 = arith.constant 0 : index
    %get3A_18 = vector.load %arg1[%get3A_15, %get3A_16, %get3A_17] : memref<5x128x128xf32, #tpu.memory_space<vmem>>, vector<5x128x128xf32>
    %reshape3A = vector.shape_cast %get3A_18 : vector<5x128x128xf32> to vector<640x128xf32>
    %get3A_19 = arith.constant 0 : index
    %get3A_20 = arith.constant 0 : index
    %get3A_21 = vector.load %arg8[%get3A_19, %get3A_20] : memref<128x128xf32, #tpu.memory_space<vmem>>, vector<128x128xf32>
    %dot_general3A_22 = arith.constant dense<0.000000e+00> : vector<640x128xf32>
    %dot_general3A_23 = tpu.matmul %reshape3A, %get3A_21, %dot_general3A_22 {dimension_numbers = #tpu.dot_dimension_numbers<[1], [0], [0], [1], [0, 0, 1, 1], [], []>, transpose_lhs_hint = false} : vector<640x128xf32>, vector<128x128xf32>, vector<640x128xf32> -> vector<640x128xf32>
    %add3A_24 = arith.addf %slice3A_10, %dot_general3A_23 : vector<640x128xf32>
    %get3A_25 = arith.constant 0 : index
    %get3A_26 = arith.constant 0 : index
    %get3A_27 = vector.load %arg9[%get3A_25, %get3A_26] : memref<1x128xf32, #tpu.memory_space<vmem>>, vector<1x128xf32>
    %add3A_28 = vector.broadcast %get3A_27 : vector<1x128xf32> to vector<640x128xf32>
    %add3A_29 = arith.addf %add3A_24, %add3A_28 : vector<640x128xf32>
    %logistic3A = arith.negf %add3A_29 : vector<640x128xf32>
    %logistic3A_30 = math.exp %logistic3A : vector<640x128xf32>
    %logistic3A_31 = arith.constant 1.000000e+00 : f32
    %logistic3A_32 = vector.broadcast %logistic3A_31 : f32 to vector<640x128xf32>
    %logistic3A_33 = arith.addf %logistic3A_32, %logistic3A_30 : vector<640x128xf32>
    %logistic3A_34 = arith.divf %logistic3A_32, %logistic3A_33 : vector<640x128xf32>
    %add3A_35 = arith.addf %broadcast_in_dim3A_12, %reshape3A : vector<640x128xf32>
    %mul3A = arith.mulf %logistic3A_34, %reshape3A : vector<640x128xf32>
    %add3A_36 = arith.addf %broadcast_in_dim3A_14, %mul3A : vector<640x128xf32>
    %get3A_37 = arith.constant 0 : index
    %get3A_38 = arith.constant 0 : index
    %get3A_39 = arith.constant 0 : index
    %get3A_40 = vector.load %arg2[%get3A_37, %get3A_38, %get3A_39] : memref<5x128x128xf32, #tpu.memory_space<vmem>>, vector<5x128x128xf32>
    %reshape3A_41 = vector.shape_cast %get3A_40 : vector<5x128x128xf32> to vector<640x128xf32>
    %get3A_42 = arith.constant 0 : index
    %get3A_43 = arith.constant 0 : index
    %get3A_44 = vector.load %arg8[%get3A_42, %get3A_43] : memref<128x128xf32, #tpu.memory_space<vmem>>, vector<128x128xf32>
    %dot_general3A_45 = arith.constant dense<0.000000e+00> : vector<640x128xf32>
    %dot_general3A_46 = tpu.matmul %reshape3A_41, %get3A_44, %dot_general3A_45 {dimension_numbers = #tpu.dot_dimension_numbers<[1], [0], [0], [1], [0, 0, 1, 1], [], []>, transpose_lhs_hint = false} : vector<640x128xf32>, vector<128x128xf32>, vector<640x128xf32> -> vector<640x128xf32>
    %add3A_47 = arith.addf %slice3A_10, %dot_general3A_46 : vector<640x128xf32>
    %get3A_48 = arith.constant 0 : index
    %get3A_49 = arith.constant 0 : index
    %get3A_50 = vector.load %arg9[%get3A_48, %get3A_49] : memref<1x128xf32, #tpu.memory_space<vmem>>, vector<1x128xf32>
    %add3A_51 = vector.broadcast %get3A_50 : vector<1x128xf32> to vector<640x128xf32>
    %add3A_52 = arith.addf %add3A_47, %add3A_51 : vector<640x128xf32>
    %logistic3A_53 = arith.negf %add3A_52 : vector<640x128xf32>
    %logistic3A_54 = math.exp %logistic3A_53 : vector<640x128xf32>
    %logistic3A_55 = arith.constant 1.000000e+00 : f32
    %logistic3A_56 = vector.broadcast %logistic3A_55 : f32 to vector<640x128xf32>
    %logistic3A_57 = arith.addf %logistic3A_56, %logistic3A_54 : vector<640x128xf32>
    %logistic3A_58 = arith.divf %logistic3A_56, %logistic3A_57 : vector<640x128xf32>
    %add3A_59 = arith.addf %add3A_35, %reshape3A_41 : vector<640x128xf32>
    %mul3A_60 = arith.mulf %logistic3A_58, %reshape3A_41 : vector<640x128xf32>
    %add3A_61 = arith.addf %add3A_36, %mul3A_60 : vector<640x128xf32>
    %get3A_62 = arith.constant 0 : index
    %get3A_63 = arith.constant 0 : index
    %get3A_64 = arith.constant 0 : index
    %get3A_65 = vector.load %arg3[%get3A_62, %get3A_63, %get3A_64] : memref<5x128x128xf32, #tpu.memory_space<vmem>>, vector<5x128x128xf32>
    %reshape3A_66 = vector.shape_cast %get3A_65 : vector<5x128x128xf32> to vector<640x128xf32>
    %get3A_67 = arith.constant 0 : index
    %get3A_68 = arith.constant 0 : index
    %get3A_69 = vector.load %arg8[%get3A_67, %get3A_68] : memref<128x128xf32, #tpu.memory_space<vmem>>, vector<128x128xf32>
    %dot_general3A_70 = arith.constant dense<0.000000e+00> : vector<640x128xf32>
    %dot_general3A_71 = tpu.matmul %reshape3A_66, %get3A_69, %dot_general3A_70 {dimension_numbers = #tpu.dot_dimension_numbers<[1], [0], [0], [1], [0, 0, 1, 1], [], []>, transpose_lhs_hint = false} : vector<640x128xf32>, vector<128x128xf32>, vector<640x128xf32> -> vector<640x128xf32>
    %add3A_72 = arith.addf %slice3A_10, %dot_general3A_71 : vector<640x128xf32>
    %get3A_73 = arith.constant 0 : index
    %get3A_74 = arith.constant 0 : index
    %get3A_75 = vector.load %arg9[%get3A_73, %get3A_74] : memref<1x128xf32, #tpu.memory_space<vmem>>, vector<1x128xf32>
    %add3A_76 = vector.broadcast %get3A_75 : vector<1x128xf32> to vector<640x128xf32>
    %add3A_77 = arith.addf %add3A_72, %add3A_76 : vector<640x128xf32>
    %logistic3A_78 = arith.negf %add3A_77 : vector<640x128xf32>
    %logistic3A_79 = math.exp %logistic3A_78 : vector<640x128xf32>
    %logistic3A_80 = arith.constant 1.000000e+00 : f32
    %logistic3A_81 = vector.broadcast %logistic3A_80 : f32 to vector<640x128xf32>
    %logistic3A_82 = arith.addf %logistic3A_81, %logistic3A_79 : vector<640x128xf32>
    %logistic3A_83 = arith.divf %logistic3A_81, %logistic3A_82 : vector<640x128xf32>
    %add3A_84 = arith.addf %add3A_59, %reshape3A_66 : vector<640x128xf32>
    %mul3A_85 = arith.mulf %logistic3A_83, %reshape3A_66 : vector<640x128xf32>
    %add3A_86 = arith.addf %add3A_61, %mul3A_85 : vector<640x128xf32>
    %get3A_87 = arith.constant 0 : index
    %get3A_88 = arith.constant 0 : index
    %get3A_89 = arith.constant 0 : index
    %get3A_90 = vector.load %arg4[%get3A_87, %get3A_88, %get3A_89] : memref<5x128x128xf32, #tpu.memory_space<vmem>>, vector<5x128x128xf32>
    %reshape3A_91 = vector.shape_cast %get3A_90 : vector<5x128x128xf32> to vector<640x128xf32>
    %get3A_92 = arith.constant 0 : index
    %get3A_93 = arith.constant 0 : index
    %get3A_94 = vector.load %arg8[%get3A_92, %get3A_93] : memref<128x128xf32, #tpu.memory_space<vmem>>, vector<128x128xf32>
    %dot_general3A_95 = arith.constant dense<0.000000e+00> : vector<640x128xf32>
    %dot_general3A_96 = tpu.matmul %reshape3A_91, %get3A_94, %dot_general3A_95 {dimension_numbers = #tpu.dot_dimension_numbers<[1], [0], [0], [1], [0, 0, 1, 1], [], []>, transpose_lhs_hint = false} : vector<640x128xf32>, vector<128x128xf32>, vector<640x128xf32> -> vector<640x128xf32>
    %add3A_97 = arith.addf %slice3A_10, %dot_general3A_96 : vector<640x128xf32>
    %get3A_98 = arith.constant 0 : index
    %get3A_99 = arith.constant 0 : index
    %get3A_100 = vector.load %arg9[%get3A_98, %get3A_99] : memref<1x128xf32, #tpu.memory_space<vmem>>, vector<1x128xf32>
    %add3A_101 = vector.broadcast %get3A_100 : vector<1x128xf32> to vector<640x128xf32>
    %add3A_102 = arith.addf %add3A_97, %add3A_101 : vector<640x128xf32>
    %logistic3A_103 = arith.negf %add3A_102 : vector<640x128xf32>
    %logistic3A_104 = math.exp %logistic3A_103 : vector<640x128xf32>
    %logistic3A_105 = arith.constant 1.000000e+00 : f32
    %logistic3A_106 = vector.broadcast %logistic3A_105 : f32 to vector<640x128xf32>
    %logistic3A_107 = arith.addf %logistic3A_106, %logistic3A_104 : vector<640x128xf32>
    %logistic3A_108 = arith.divf %logistic3A_106, %logistic3A_107 : vector<640x128xf32>
    %add3A_109 = arith.addf %add3A_84, %reshape3A_91 : vector<640x128xf32>
    %mul3A_110 = arith.mulf %logistic3A_108, %reshape3A_91 : vector<640x128xf32>
    %add3A_111 = arith.addf %add3A_86, %mul3A_110 : vector<640x128xf32>
    %get3A_112 = arith.constant 0 : index
    %get3A_113 = arith.constant 0 : index
    %get3A_114 = vector.load %arg10[%get3A_112, %get3A_113] : memref<128x128xf32, #tpu.memory_space<vmem>>, vector<128x128xf32>
    %dot_general3A_115 = arith.constant dense<0.000000e+00> : vector<640x128xf32>
    %dot_general3A_116 = tpu.matmul %add3A_109, %get3A_114, %dot_general3A_115 {dimension_numbers = #tpu.dot_dimension_numbers<[1], [0], [0], [1], [0, 0, 1, 1], [], []>, transpose_lhs_hint = false} : vector<640x128xf32>, vector<128x128xf32>, vector<640x128xf32> -> vector<640x128xf32>
    %add3A_117 = arith.addf %slice3A, %dot_general3A_116 : vector<640x128xf32>
    %logistic3A_118 = arith.negf %add3A_117 : vector<640x128xf32>
    %logistic3A_119 = math.exp %logistic3A_118 : vector<640x128xf32>
    %logistic3A_120 = arith.constant 1.000000e+00 : f32
    %logistic3A_121 = vector.broadcast %logistic3A_120 : f32 to vector<640x128xf32>
    %logistic3A_122 = arith.addf %logistic3A_121, %logistic3A_119 : vector<640x128xf32>
    %logistic3A_123 = arith.divf %logistic3A_121, %logistic3A_122 : vector<640x128xf32>
    %get3A_124 = arith.constant 0 : index
    %get3A_125 = arith.constant 0 : index
    %get3A_126 = vector.load %arg11[%get3A_124, %get3A_125] : memref<128x128xf32, #tpu.memory_space<vmem>>, vector<128x128xf32>
    %dot_general3A_127 = arith.constant dense<0.000000e+00> : vector<640x128xf32>
    %dot_general3A_128 = tpu.matmul %add3A_111, %get3A_126, %dot_general3A_127 {dimension_numbers = #tpu.dot_dimension_numbers<[1], [0], [0], [1], [0, 0, 1, 1], [], []>, transpose_lhs_hint = false} : vector<640x128xf32>, vector<128x128xf32>, vector<640x128xf32> -> vector<640x128xf32>
    %add3A_129 = arith.addf %slice3A_11, %dot_general3A_128 : vector<640x128xf32>
    %tanh3A = math.tanh %add3A_129 : vector<640x128xf32>
    %sub3A = arith.constant 1.000000e+00 : f32
    %sub3A_130 = vector.broadcast %sub3A : f32 to vector<640x128xf32>
    %sub3A_131 = arith.subf %sub3A_130, %logistic3A_123 : vector<640x128xf32>
    %mul3A_132 = arith.mulf %sub3A_131, %add3A_109 : vector<640x128xf32>
    %mul3A_133 = arith.mulf %logistic3A_123, %tanh3A : vector<640x128xf32>
    %add3A_134 = arith.addf %mul3A_132, %mul3A_133 : vector<640x128xf32>
    %iota3A = tpu.iota {dimensions = array<i32: 0>} : vector<640x1xi32>
    %mul3A_135 = arith.constant 640 : i32
    %mul3A_136 = arith.muli %arg0, %mul3A_135 : i32
    %add3A_137 = vector.broadcast %mul3A_136 : i32 to vector<640x1xi32>
    %add3A_138 = arith.addi %iota3A, %add3A_137 : vector<640x1xi32>
    %eq3A = arith.constant 0 : i32
    %eq3A_139 = vector.broadcast %eq3A : i32 to vector<640x1xi32>
    %eq3A_140 = arith.cmpi eq, %add3A_138, %eq3A_139 : vector<640x1xi32>
    %jit3A = arith.constant 0.000000e+00 : f32
    %broadcast_in_dim3A_141 = vector.shape_cast %eq3A_140 : vector<640x1xi1> to vector<640x1xi1>
    %broadcast_in_dim3A_142 = vector.broadcast %broadcast_in_dim3A_141 : vector<640x1xi1> to vector<640x128xi1>
    %broadcast_in_dim3A_143 = vector.broadcast %jit3A : f32 to vector<640x128xf32>
    %select_n3A = arith.select %broadcast_in_dim3A_142, %broadcast_in_dim3A_143, %add3A_134 : vector<640x128xi1>, vector<640x128xf32>
    %swap3A = arith.constant 0 : index
    %swap3A_144 = arith.constant 0 : index
    %swap3A_145 = vector.load %arg12[%swap3A, %swap3A_144] : memref<640x128xf32, #tpu.memory_space<vmem>>, vector<640x128xf32>
    tpu.vector_store %arg12[%swap3A, %swap3A_144], %select_n3A {strides = array<i32>} : memref<640x128xf32, #tpu.memory_space<vmem>>, vector<640x128xf32>,
    return
  }
  func.func @transform_0(%arg0: i32) -> (i32, i32, i32) {
    %add3A = arith.constant 0 : i32
    %add3A_0 = arith.addi %add3A, %arg0 : i32
    %c0_i32 = arith.constant 0 : i32
    %c0_i32_1 = arith.constant 0 : i32
    %c0_i32_2 = arith.constant 0 : i32
    return %add3A_0, %c0_i32, %c0_i32_1 : i32, i32, i32
  }
  func.func @transform_1(%arg0: i32) -> (i32, i32, i32) {
    %add3A = arith.constant 250 : i32
    %add3A_0 = arith.addi %add3A, %arg0 : i32
    %c0_i32 = arith.constant 0 : i32
    %c0_i32_1 = arith.constant 0 : i32
    %c0_i32_2 = arith.constant 0 : i32
    return %add3A_0, %c0_i32, %c0_i32_1 : i32, i32, i32
  }
  func.func @transform_2(%arg0: i32) -> (i32, i32, i32) {
    %add3A = arith.constant 500 : i32
    %add3A_0 = arith.addi %add3A, %arg0 : i32
    %c0_i32 = arith.constant 0 : i32
    %c0_i32_1 = arith.constant 0 : i32
    %c0_i32_2 = arith.constant 0 : i32
    return %add3A_0, %c0_i32, %c0_i32_1 : i32, i32, i32
  }
  func.func @transform_3(%arg0: i32) -> (i32, i32, i32) {
    %add3A = arith.constant 750 : i32
    %add3A_0 = arith.addi %add3A, %arg0 : i32
    %c0_i32 = arith.constant 0 : i32
    %c0_i32_1 = arith.constant 0 : i32
    %c0_i32_2 = arith.constant 0 : i32
    return %add3A_0, %c0_i32, %c0_i32_1 : i32, i32, i32
  }
  func.func @transform_4(%arg0: i32) -> (i32, i32) {
    %c0_i32 = arith.constant 0 : i32
    %c0_i32_0 = arith.constant 0 : i32
    return %arg0, %c0_i32 : i32, i32
  }
  func.func @transform_5(%arg0: i32) -> (i32, i32) {
    %c0_i32 = arith.constant 0 : i32
    %c0_i32_0 = arith.constant 0 : i32
    %c0_i32_1 = arith.constant 0 : i32
    return %c0_i32, %c0_i32_0 : i32, i32
  }
  func.func @transform_6(%arg0: i32) -> (i32, i32) {
    %c0_i32 = arith.constant 0 : i32
    %c0_i32_0 = arith.constant 0 : i32
    %c0_i32_1 = arith.constant 0 : i32
    return %c0_i32, %c0_i32_0 : i32, i32
  }
  func.func @transform_7(%arg0: i32) -> (i32, i32) {
    %c0_i32 = arith.constant 0 : i32
    %c0_i32_0 = arith.constant 0 : i32
    %c0_i32_1 = arith.constant 0 : i32
    return %c0_i32, %c0_i32_0 : i32, i32
  }
  func.func @transform_8(%arg0: i32) -> (i32, i32) {
    %c0_i32 = arith.constant 0 : i32
    %c0_i32_0 = arith.constant 0 : i32
    %c0_i32_1 = arith.constant 0 : i32
    return %c0_i32, %c0_i32_0 : i32, i32
  }
  func.func @transform_9(%arg0: i32) -> (i32, i32) {
    %c0_i32 = arith.constant 0 : i32
    %c0_i32_0 = arith.constant 0 : i32
    %c0_i32_1 = arith.constant 0 : i32
    return %c0_i32, %c0_i32_0 : i32, i32
  }
  func.func @transform_10(%arg0: i32) -> (i32, i32) {
    %c0_i32 = arith.constant 0 : i32
    %c0_i32_0 = arith.constant 0 : i32
    %c0_i32_1 = arith.constant 0 : i32
    return %c0_i32, %c0_i32_0 : i32, i32
  }
  func.func @transform_11(%arg0: i32) -> (i32, i32) {
    %c0_i32 = arith.constant 0 : i32
    %c0_i32_0 = arith.constant 0 : i32
    return %arg0, %c0_i32 : i32, i32
  }
}

module attributes {stable_mosaic.version = 14 : i64} {
  func.func @body(%arg0: i32, %arg1: memref<640x16xf32, #tpu.memory_space<vmem>>, %arg2: memref<16x256xf32, #tpu.memory_space<vmem>>, %arg3: memref<1x256xf32, #tpu.memory_space<vmem>>, %arg4: memref<640x128xf32, #tpu.memory_space<vmem>>) attributes {dimension_semantics = [#tpu.dimension_semantics<arbitrary>], iteration_bounds = array<i64: 250>, scalar_prefetch = 0 : i64, scratch_operands = 0 : i64, tpu.core_type = #tpu.core_type<tc>, window_params = [{transform_indices = @transform_0, window_bounds = array<i64: 640, 16>}, {pipeline_mode = #tpu.pipeline_mode<synchronous>, transform_indices = @transform_1, window_bounds = array<i64: 16, 256>}, {pipeline_mode = #tpu.pipeline_mode<synchronous>, transform_indices = @transform_2, window_bounds = array<i64: 1, 256>}, {transform_indices = @transform_3, window_bounds = array<i64: 640, 128>}]} {
    %get3A = arith.constant 0 : index
    %get3A_0 = arith.constant 0 : index
    %get3A_1 = vector.load %arg1[%get3A, %get3A_0] : memref<640x16xf32, #tpu.memory_space<vmem>>, vector<640x16xf32>
    %get3A_2 = arith.constant 0 : index
    %get3A_3 = arith.constant 0 : index
    %get3A_4 = vector.load %arg2[%get3A_2, %get3A_3] : memref<16x256xf32, #tpu.memory_space<vmem>>, vector<16x256xf32>
    %dot_general3A = arith.constant dense<0.000000e+00> : vector<640x256xf32>
    %dot_general3A_5 = tpu.matmul %get3A_1, %get3A_4, %dot_general3A {dimension_numbers = #tpu.dot_dimension_numbers<[1], [0], [0], [1], [0, 0, 1, 1], [], []>, transpose_lhs_hint = false} : vector<640x16xf32>, vector<16x256xf32>, vector<640x256xf32> -> vector<640x256xf32>
    %get3A_6 = arith.constant 0 : index
    %get3A_7 = arith.constant 0 : index
    %get3A_8 = vector.load %arg3[%get3A_6, %get3A_7] : memref<1x256xf32, #tpu.memory_space<vmem>>, vector<1x256xf32>
    %add3A = vector.broadcast %get3A_8 : vector<1x256xf32> to vector<640x256xf32>
    %add3A_9 = arith.addf %dot_general3A_5, %add3A : vector<640x256xf32>
    %slice3A = vector.extract_strided_slice %add3A_9 {offsets = [0, 0], sizes = [640, 128], strides = [1, 1]} : vector<640x256xf32> to vector<640x128xf32>
    %slice3A_10 = vector.extract_strided_slice %add3A_9 {offsets = [0, 128], sizes = [640, 128], strides = [1, 1]} : vector<640x256xf32> to vector<640x128xf32>
    %logistic3A = arith.negf %slice3A : vector<640x128xf32>
    %logistic3A_11 = math.exp %logistic3A : vector<640x128xf32>
    %logistic3A_12 = arith.constant 1.000000e+00 : f32
    %logistic3A_13 = vector.broadcast %logistic3A_12 : f32 to vector<640x128xf32>
    %logistic3A_14 = arith.addf %logistic3A_13, %logistic3A_11 : vector<640x128xf32>
    %logistic3A_15 = arith.divf %logistic3A_13, %logistic3A_14 : vector<640x128xf32>
    %tanh3A = math.tanh %slice3A_10 : vector<640x128xf32>
    %mul3A = arith.mulf %logistic3A_15, %tanh3A : vector<640x128xf32>
    %iota3A = tpu.iota {dimensions = array<i32: 0>} : vector<640x1xi32>
    %mul3A_16 = arith.constant 640 : i32
    %mul3A_17 = arith.muli %arg0, %mul3A_16 : i32
    %add3A_18 = vector.broadcast %mul3A_17 : i32 to vector<640x1xi32>
    %add3A_19 = arith.addi %iota3A, %add3A_18 : vector<640x1xi32>
    %eq3A = arith.constant 0 : i32
    %eq3A_20 = vector.broadcast %eq3A : i32 to vector<640x1xi32>
    %eq3A_21 = arith.cmpi eq, %add3A_19, %eq3A_20 : vector<640x1xi32>
    %jit3A = arith.constant 0.000000e+00 : f32
    %broadcast_in_dim3A = vector.shape_cast %eq3A_21 : vector<640x1xi1> to vector<640x1xi1>
    %broadcast_in_dim3A_22 = vector.broadcast %broadcast_in_dim3A : vector<640x1xi1> to vector<640x128xi1>
    %broadcast_in_dim3A_23 = vector.broadcast %jit3A : f32 to vector<640x128xf32>
    %select_n3A = arith.select %broadcast_in_dim3A_22, %broadcast_in_dim3A_23, %mul3A : vector<640x128xi1>, vector<640x128xf32>
    %swap3A = arith.constant 0 : index
    %swap3A_24 = arith.constant 0 : index
    %swap3A_25 = vector.load %arg4[%swap3A, %swap3A_24] : memref<640x128xf32, #tpu.memory_space<vmem>>, vector<640x128xf32>
    tpu.vector_store %arg4[%swap3A, %swap3A_24], %select_n3A {strides = array<i32>} : memref<640x128xf32, #tpu.memory_space<vmem>>, vector<640x128xf32>,
    return
  }
  func.func @transform_0(%arg0: i32) -> (i32, i32) {
    %c0_i32 = arith.constant 0 : i32
    %c0_i32_0 = arith.constant 0 : i32
    return %arg0, %c0_i32 : i32, i32
  }
  func.func @transform_1(%arg0: i32) -> (i32, i32) {
    %c0_i32 = arith.constant 0 : i32
    %c0_i32_0 = arith.constant 0 : i32
    %c0_i32_1 = arith.constant 0 : i32
    return %c0_i32, %c0_i32_0 : i32, i32
  }
  func.func @transform_2(%arg0: i32) -> (i32, i32) {
    %c0_i32 = arith.constant 0 : i32
    %c0_i32_0 = arith.constant 0 : i32
    %c0_i32_1 = arith.constant 0 : i32
    return %c0_i32, %c0_i32_0 : i32, i32
  }
  func.func @transform_3(%arg0: i32) -> (i32, i32) {
    %c0_i32 = arith.constant 0 : i32
    %c0_i32_0 = arith.constant 0 : i32
    return %arg0, %c0_i32 : i32, i32
  }
}

module attributes {stable_mosaic.version = 14 : i64} {
  func.func @body(%arg0: i32, %arg1: memref<5x128x128xf32, #tpu.memory_space<vmem>>, %arg2: memref<5x128x128xf32, #tpu.memory_space<vmem>>, %arg3: memref<5x128x128xf32, #tpu.memory_space<vmem>>, %arg4: memref<5x128x128xf32, #tpu.memory_space<vmem>>, %arg5: memref<640x256xf32, #tpu.memory_space<vmem>>, %arg6: memref<256x128xf32, #tpu.memory_space<vmem>>, %arg7: memref<128x128xf32, #tpu.memory_space<vmem>>, %arg8: memref<1x128xf32, #tpu.memory_space<vmem>>, %arg9: memref<640x1xf32, #tpu.memory_space<vmem>>, %arg10: memref<640x128xf32, #tpu.memory_space<vmem>>) attributes {dimension_semantics = [#tpu.dimension_semantics<arbitrary>], iteration_bounds = array<i64: 16>, scalar_prefetch = 0 : i64, scratch_operands = 0 : i64, tpu.core_type = #tpu.core_type<tc>, window_params = [{transform_indices = @transform_0, window_bounds = array<i64: 5, 128, 128>}, {transform_indices = @transform_1, window_bounds = array<i64: 5, 128, 128>}, {transform_indices = @transform_2, window_bounds = array<i64: 5, 128, 128>}, {transform_indices = @transform_3, window_bounds = array<i64: 5, 128, 128>}, {transform_indices = @transform_4, window_bounds = array<i64: 640, 256>}, {pipeline_mode = #tpu.pipeline_mode<synchronous>, transform_indices = @transform_5, window_bounds = array<i64: 256, 128>}, {pipeline_mode = #tpu.pipeline_mode<synchronous>, transform_indices = @transform_6, window_bounds = array<i64: 128, 128>}, {pipeline_mode = #tpu.pipeline_mode<synchronous>, transform_indices = @transform_7, window_bounds = array<i64: 1, 128>}, {transform_indices = @transform_8, window_bounds = array<i64: 640, 1>}, {transform_indices = @transform_9, window_bounds = array<i64: 640, 128>}]} {
    %get3A = arith.constant 0 : index
    %get3A_0 = arith.constant 0 : index
    %get3A_1 = arith.constant 0 : index
    %get3A_2 = vector.load %arg1[%get3A, %get3A_0, %get3A_1] : memref<5x128x128xf32, #tpu.memory_space<vmem>>, vector<5x128x128xf32>
    %reshape3A = vector.shape_cast %get3A_2 : vector<5x128x128xf32> to vector<640x128xf32>
    %get3A_3 = arith.constant 0 : index
    %get3A_4 = arith.constant 0 : index
    %get3A_5 = arith.constant 0 : index
    %get3A_6 = vector.load %arg2[%get3A_3, %get3A_4, %get3A_5] : memref<5x128x128xf32, #tpu.memory_space<vmem>>, vector<5x128x128xf32>
    %reshape3A_7 = vector.shape_cast %get3A_6 : vector<5x128x128xf32> to vector<640x128xf32>
    %add3A = arith.addf %reshape3A, %reshape3A_7 : vector<640x128xf32>
    %get3A_8 = arith.constant 0 : index
    %get3A_9 = arith.constant 0 : index
    %get3A_10 = arith.constant 0 : index
    %get3A_11 = vector.load %arg3[%get3A_8, %get3A_9, %get3A_10] : memref<5x128x128xf32, #tpu.memory_space<vmem>>, vector<5x128x128xf32>
    %reshape3A_12 = vector.shape_cast %get3A_11 : vector<5x128x128xf32> to vector<640x128xf32>
    %add3A_13 = arith.addf %add3A, %reshape3A_12 : vector<640x128xf32>
    %get3A_14 = arith.constant 0 : index
    %get3A_15 = arith.constant 0 : index
    %get3A_16 = arith.constant 0 : index
    %get3A_17 = vector.load %arg4[%get3A_14, %get3A_15, %get3A_16] : memref<5x128x128xf32, #tpu.memory_space<vmem>>, vector<5x128x128xf32>
    %reshape3A_18 = vector.shape_cast %get3A_17 : vector<5x128x128xf32> to vector<640x128xf32>
    %add3A_19 = arith.addf %add3A_13, %reshape3A_18 : vector<640x128xf32>
    %get3A_20 = arith.constant 0 : index
    %get3A_21 = arith.constant 0 : index
    %get3A_22 = vector.load %arg5[%get3A_20, %get3A_21] : memref<640x256xf32, #tpu.memory_space<vmem>>, vector<640x256xf32>
    %get3A_23 = arith.constant 0 : index
    %get3A_24 = arith.constant 0 : index
    %get3A_25 = vector.load %arg6[%get3A_23, %get3A_24] : memref<256x128xf32, #tpu.memory_space<vmem>>, vector<256x128xf32>
    %dot_general3A = arith.constant dense<0.000000e+00> : vector<640x128xf32>
    %dot_general3A_26 = tpu.matmul %get3A_22, %get3A_25, %dot_general3A {dimension_numbers = #tpu.dot_dimension_numbers<[1], [0], [0], [1], [0, 0, 1, 1], [], []>, transpose_lhs_hint = false} : vector<640x256xf32>, vector<256x128xf32>, vector<640x128xf32> -> vector<640x128xf32>
    %get3A_27 = arith.constant 0 : index
    %get3A_28 = arith.constant 0 : index
    %get3A_29 = vector.load %arg7[%get3A_27, %get3A_28] : memref<128x128xf32, #tpu.memory_space<vmem>>, vector<128x128xf32>
    %dot_general3A_30 = arith.constant dense<0.000000e+00> : vector<640x128xf32>
    %dot_general3A_31 = tpu.matmul %add3A_19, %get3A_29, %dot_general3A_30 {dimension_numbers = #tpu.dot_dimension_numbers<[1], [0], [0], [1], [0, 0, 1, 1], [], []>, transpose_lhs_hint = false} : vector<640x128xf32>, vector<128x128xf32>, vector<640x128xf32> -> vector<640x128xf32>
    %add3A_32 = arith.addf %dot_general3A_26, %dot_general3A_31 : vector<640x128xf32>
    %get3A_33 = arith.constant 0 : index
    %get3A_34 = arith.constant 0 : index
    %get3A_35 = vector.load %arg8[%get3A_33, %get3A_34] : memref<1x128xf32, #tpu.memory_space<vmem>>, vector<1x128xf32>
    %add3A_36 = vector.broadcast %get3A_35 : vector<1x128xf32> to vector<640x128xf32>
    %add3A_37 = arith.addf %add3A_32, %add3A_36 : vector<640x128xf32>
    %max3A = arith.constant 0.000000e+00 : f32
    %max3A_38 = vector.broadcast %max3A : f32 to vector<640x128xf32>
    %max3A_39 = arith.maximumf %add3A_37, %max3A_38 : vector<640x128xf32>
    %get3A_40 = arith.constant 0 : index
    %get3A_41 = arith.constant 0 : index
    %get3A_42 = vector.load %arg9[%get3A_40, %get3A_41] : memref<640x1xf32, #tpu.memory_space<vmem>>, vector<640x1xf32>
    %mul3A = vector.broadcast %get3A_42 : vector<640x1xf32> to vector<640x128xf32>
    %mul3A_43 = arith.mulf %max3A_39, %mul3A : vector<640x128xf32>
    %swap3A = arith.constant 0 : index
    %swap3A_44 = arith.constant 0 : index
    %swap3A_45 = vector.load %arg10[%swap3A, %swap3A_44] : memref<640x128xf32, #tpu.memory_space<vmem>>, vector<640x128xf32>
    tpu.vector_store %arg10[%swap3A, %swap3A_44], %mul3A_43 {strides = array<i32>} : memref<640x128xf32, #tpu.memory_space<vmem>>, vector<640x128xf32>,
    return
  }
  func.func @transform_0(%arg0: i32) -> (i32, i32, i32) {
    %add3A = arith.constant 0 : i32
    %add3A_0 = arith.addi %add3A, %arg0 : i32
    %c0_i32 = arith.constant 0 : i32
    %c0_i32_1 = arith.constant 0 : i32
    %c0_i32_2 = arith.constant 0 : i32
    return %add3A_0, %c0_i32, %c0_i32_1 : i32, i32, i32
  }
  func.func @transform_1(%arg0: i32) -> (i32, i32, i32) {
    %add3A = arith.constant 16 : i32
    %add3A_0 = arith.addi %add3A, %arg0 : i32
    %c0_i32 = arith.constant 0 : i32
    %c0_i32_1 = arith.constant 0 : i32
    %c0_i32_2 = arith.constant 0 : i32
    return %add3A_0, %c0_i32, %c0_i32_1 : i32, i32, i32
  }
  func.func @transform_2(%arg0: i32) -> (i32, i32, i32) {
    %add3A = arith.constant 32 : i32
    %add3A_0 = arith.addi %add3A, %arg0 : i32
    %c0_i32 = arith.constant 0 : i32
    %c0_i32_1 = arith.constant 0 : i32
    %c0_i32_2 = arith.constant 0 : i32
    return %add3A_0, %c0_i32, %c0_i32_1 : i32, i32, i32
  }
  func.func @transform_3(%arg0: i32) -> (i32, i32, i32) {
    %add3A = arith.constant 48 : i32
    %add3A_0 = arith.addi %add3A, %arg0 : i32
    %c0_i32 = arith.constant 0 : i32
    %c0_i32_1 = arith.constant 0 : i32
    %c0_i32_2 = arith.constant 0 : i32
    return %add3A_0, %c0_i32, %c0_i32_1 : i32, i32, i32
  }
  func.func @transform_4(%arg0: i32) -> (i32, i32) {
    %c0_i32 = arith.constant 0 : i32
    %c0_i32_0 = arith.constant 0 : i32
    return %arg0, %c0_i32 : i32, i32
  }
  func.func @transform_5(%arg0: i32) -> (i32, i32) {
    %c0_i32 = arith.constant 0 : i32
    %c0_i32_0 = arith.constant 0 : i32
    %c0_i32_1 = arith.constant 0 : i32
    return %c0_i32, %c0_i32_0 : i32, i32
  }
  func.func @transform_6(%arg0: i32) -> (i32, i32) {
    %c0_i32 = arith.constant 0 : i32
    %c0_i32_0 = arith.constant 0 : i32
    %c0_i32_1 = arith.constant 0 : i32
    return %c0_i32, %c0_i32_0 : i32, i32
  }
  func.func @transform_7(%arg0: i32) -> (i32, i32) {
    %c0_i32 = arith.constant 0 : i32
    %c0_i32_0 = arith.constant 0 : i32
    %c0_i32_1 = arith.constant 0 : i32
    return %c0_i32, %c0_i32_0 : i32, i32
  }
  func.func @transform_8(%arg0: i32) -> (i32, i32) {
    %c0_i32 = arith.constant 0 : i32
    %c0_i32_0 = arith.constant 0 : i32
    return %arg0, %c0_i32 : i32, i32
  }
  func.func @transform_9(%arg0: i32) -> (i32, i32) {
    %c0_i32 = arith.constant 0 : i32
    %c0_i32_0 = arith.constant 0 : i32
    return %arg0, %c0_i32 : i32, i32
  }
}

</mosaic_0001>

<sc_bundles>
// kernel: kernel.12.cloned.1.call-start
scs
__scs_entry_jumppad:
0x0: {  	(pc) =	sbr.rel $0x88, $3  }
0x1: {  	(tag) =	ssettag $0x0;
	lr =	simm.s32 $0x1  }
0x2: {  	[smem:$0x3F93] =	sst lr;
	_ =	strace $0xD0000000  }
0x3: {  	_ = 	snop  }
0x4: {  	_ = 	snop  }
0x5: {  	_ = 	snop  }
0x6: {  	_ = 	snop  }
0x7: {  	_ = 	snop  }
__scs_overlays_trampoline_lowered:
0x8: {  	[smem:$0x3FA2] =	sst s0  }
0x9: {  	[smem:$0x3FA3] =	sst s1  }
0xa: {  	[smem:$0x3FA4] =	sst s2  }
0xb: {  	[smem:$0x3FA5] =	sst s3  }
0xc: {  	[smem:$0x3FA6] =	sst s4  }
0xd: {  	[smem:$0x3FA7] =	sst s5  }
0xe: {  	[smem:$0x3FA8] =	sst s6  }
0xf: {  	[smem:$0x3FA9] =	sst s7  }
0x10: {  	[smem:$0x3FAA] =	sst s8  }
0x11: {  	[smem:$0x3FAB] =	sst s9;
	s0 =	simm.s32 @!p0 $0x0  }
0x12: {  	s1 =	sld [smem:$0x3F91];
	s0 =	simm.s32 @p0 $0x1  }
0x13: {  	[smem:$0x3FAC] =	sst s0;
	s0 =	simm.s32 @!p1 $0x0  }
0x14: {  	s2 =	sld [smem:$0x3F90];
	s0 =	simm.s32 @p1 $0x1  }
0x15: {  	[smem:$0x3FAD] =	sst s0;
	s0 =	simm.s32 @!p2 $0x0  }
0x16: {  	s3 =	sld [smem:$0x3FDB];
	s0 =	simm.s32 @p2 $0x1  }
0x17: {  	s4 =	simm.s32 $0x1BF5;
	[smem:$0x3FAF] =	sst s0  }
0x18: {  	s0 =	sld [smem:$0x3F92];
	_ =	swait.ge [sflag:s4], $0x0  }
0x19: {  	s7 =	sld [smem:$0x3F93]  }
0x1a: {  	s8 =	sadd.s32 $0xFFFFE003, lr  }
0x1b: {  	s9 =	sadd.s32 $0xFFFFFEF7, lr;
	s5 =	simm.s32 $0xFFFFFFFF;
	p2 =	slt.u32 s8, $0xFFFFF086  }
0x1c: {  	p1 =	slt.u32 s9, $0xF7A;
	s5 =	simm.s32 @!p2 $0x0  }
0x1d: {  	s5 =	simm.s32 @p1 $0x1;
	p0 =	seq.s32 s7, s2  }
0x1e: {  	s7 =	smul.u32 @!p0 $0xF7A, s2;
	p2 =	seq.s32 @!p0 s5, $0x0  }
0x1f: {  	s9 =	smul.u32 $0xF7A, s1;
	s8 =	simm.s32 @!p0 $0x1BF5;
	p2 =	por !p2, p0  }
0x20: {  	[sflag:s8] =	ssyncset.s32 @!p0 $0xFFFFF086;
	s6 =	sadd.s32 @!p0 s3, s7;
	s7 =	simm.s32 @!p0 $0x108  }
0x21: {  	s3 =	sadd.s32 s3, s9;
	s6 =	sadd.s32 @!p0 $0x88, s6;
	s7 =	simm.s32 @p2 $0x1082  }
0x22: {  	[simem:s7], [sflag:s8] =	dma.local @!p0 [hbm:s6], $0xF7A  }
0x23: {  	s9 =	sor.u32 $0xD0000000, s2;
	s6 =	simm.s32 $0x108;
	_ =	swait.ge @!p0 [sflag:s8], $0x0  }
0x24: {  	s3 =	sadd.s32 $0x88, s3;
	s6 =	simm.s32 @!p1 $0x1082;
	[sflag:s4] =	ssyncset.s32 $0xFFFFF086  }
0x25: {  	[simem:s6], [sflag:s4] =	dma.local [hbm:s3], $0xF7A  }
0x26: {  	[smem:$0x3F93] =	sst s1;
	(tag) =	ssettag s2;
	_ =	strace s9  }
0x27: {  	s1 =	sld [smem:$0x3FA3]  }
0x28: {  	s2 =	sld [smem:$0x3FA4]  }
0x29: {  	s4 =	sld [smem:$0x3FA6]  }
0x2a: {  	p0 =	seq.s32 s5, $0x0;
	s5 =	sld [smem:$0x3FA7]  }
0x2b: {  	s6 =	sld [smem:$0x3FA8]  }
0x2c: {  	s7 =	sld [smem:$0x3FA9]  }
0x2d: {  	s3 =	simm.s32 $0x108;
	s8 =	sld [smem:$0x3FAA]  }
0x2e: {  	s3 =	simm.s32 @!p0 $0x1082;
	s9 =	sld [smem:$0x3FAB]  }
0x2f: {  	lr =	sadd.s32 s0, s3;
	s0 =	sld [smem:$0x3FA2]  }
0x30: {  	s3 =	sld [smem:$0x3FA5]  }
0x31: {  	[smem:$0x3FAE] =	sst s10  }
0x32: {  	s10 =	sld [smem:$0x3FAC];
	_ =	sdelay $0x3  }
0x33: {  	p0 =	seq.s32 s10, $0x1;
	s10 =	sld [smem:$0x3FAE];
	_ =	sdelay $0x3  }
0x34: {  	[smem:$0x3FAE] =	sst s10  }
0x35: {  	s10 =	sld [smem:$0x3FAD];
	_ =	sdelay $0x3  }
0x36: {  	p1 =	seq.s32 s10, $0x1;
	s10 =	sld [smem:$0x3FAE];
	_ =	sdelay $0x3  }
0x37: {  	[smem:$0x3FAE] =	sst s10  }
0x38: {  	s10 =	sld [smem:$0x3FAF]  }
0x39: {  	_ = 	snop;
	(pc) =	sbr.ind lr, $3  }
0x3a: {  	_ = 	snop  }
0x3b: {  	_ = 	snop  }
0x3c: {  	p2 =	seq.s32 s10, $0x1;
	s10 =	sld [smem:$0x3FAE]  }
0x3d: {  	_ =	shalt  }
0x3e: {  	_ =	shalt  }
0x3f: {  	_ =	shalt  }
0x40: {  	_ =	shalt  }
0x41: {  	_ =	shalt  }
0x42: {  	_ =	shalt  }
0x43: {  	_ =	shalt  }
0x44: {  	_ =	shalt  }
0x45: {  	_ =	shalt  }
0x46: {  	_ =	shalt  }
0x47: {  	_ =	shalt  }
0x48: {  	_ =	shalt  }
0x49: {  	_ =	shalt  }
0x4a: {  	_ =	shalt  }
0x4b: {  	_ =	shalt  }
0x4c: {  	_ =	shalt  }
0x4d: {  	_ =	shalt  }
0x4e: {  	_ =	shalt  }
0x4f: {  	_ =	shalt  }
0x50: {  	_ =	shalt  }
0x51: {  	_ =	shalt  }
0x52: {  	_ =	shalt  }
0x53: {  	_ =	shalt  }
0x54: {  	_ =	shalt  }
0x55: {  	_ =	shalt  }
0x56: {  	_ =	shalt  }
0x57: {  	_ =	shalt  }
0x58: {  	_ =	shalt  }
0x59: {  	_ =	shalt  }
0x5a: {  	_ =	shalt  }
0x5b: {  	_ =	shalt  }
0x5c: {  	_ =	shalt  }
0x5d: {  	_ =	shalt  }
0x5e: {  	_ =	shalt  }
0x5f: {  	_ =	shalt  }
0x60: {  	_ =	shalt  }
0x61: {  	_ =	shalt  }
0x62: {  	_ =	shalt  }
0x63: {  	_ =	shalt  }
0x64: {  	_ =	shalt  }
0x65: {  	_ =	shalt  }
0x66: {  	_ =	shalt  }
0x67: {  	_ =	shalt  }
0x68: {  	_ =	shalt  }
0x69: {  	_ =	shalt  }
0x6a: {  	_ =	shalt  }
0x6b: {  	_ =	shalt  }
0x6c: {  	_ =	shalt  }
0x6d: {  	_ =	shalt  }
0x6e: {  	_ =	shalt  }
0x6f: {  	_ =	shalt  }
0x70: {  	_ =	shalt  }
0x71: {  	_ =	shalt  }
0x72: {  	_ =	shalt  }
0x73: {  	_ =	shalt  }
0x74: {  	_ =	shalt  }
0x75: {  	_ =	shalt  }
0x76: {  	_ =	shalt  }
0x77: {  	_ =	shalt  }
0x78: {  	_ =	shalt  }
0x79: {  	_ =	shalt  }
0x7a: {  	_ =	shalt  }
0x7b: {  	_ =	shalt  }
0x7c: {  	_ =	shalt  }
0x7d: {  	_ =	shalt  }
0x7e: {  	_ =	shalt  }
0x7f: {  	_ =	shalt  }
0x80: {  	_ =	shalt  }
0x81: {  	_ =	shalt  }
0x82: {  	_ =	shalt  }
0x83: {  	_ =	shalt  }
0x84: {  	_ =	shalt  }
0x85: {  	_ =	shalt  }
0x86: {  	_ =	shalt  }
0x87: {  	_ =	shalt  }
.Lfunc_end0:
.L_simem_size_0:
called_computation.1_lowered:
.L_overlay_start_0:
0x88: {  	s2 =	sld [smem:$0x3FD9]  }
0x89: {  	s3 =	sld [smem:$0x3FFE];
	_ =	sdelay $0x1  }
0x8a: {  	s1 =	srdreg.scid  }
0x8b: {  	s0 =	sand.u32 $0x1, s1  }
0x8c: {  	s17 =	sshll.u32 s0, $0xA;
	s2 =	sadd.s32 s3, s2  }
0x8d: {  	s2 =	sadd.s32 s2, s17  }
0x8e: {  	[smem:$0x3FBA] =	sst s2  }
0x8f: {  	_ = 	snop  }
0x90: {  	s2 =	sld [smem:$0x3FD0];
	(tm) =	ssettm $0x1  }
0x91: {  	s18 =	sld [smem:$0x3FFB];
	_ =	sdelay $0x3  }
0x92: {  	_ =	strace s18  }
0x93: {  	s3 =	sld [smem:$0x3FFC];
	_ =	sdelay $0x3  }
0x94: {  	_ =	strace s3  }
0x95: {  	s3 =	sld [smem:$0x3FFD];
	_ =	sdelay $0x3  }
0x96: {  	_ =	strace s3  }
0x97: {  	_ =	strace $0x8FFFFFFF  }
0x98: {  	s19 =	sld [smem:$0x3FDB];
	_ =	sdelay $0x1  }
0x99: {  	s4 =	simm.s32 $_scs_section_size  }
0x9a: {  	s5 =	simm.s32 $_size__tile_overlayer_lowered;
	s6 =	simm.s32 $_tile_overlayer_lowered  }
0x9b: {  	s22 =	simm.s32 $0x1BFF;
	s21 =	sshll.u32 s6, $0x1;
	s3 =	sadd.s32 s4, s19  }
0x9c: {  	s7 =	simm.s32 $0x0;
	s20 =	sshll.u32 s5, $0x1;
	s5 =	sadd.s32 s21, s3  }
0x9d: {  	[timem:s7], [sflag:s22] =	dma.local [hbm:s5], s20  }
0x9e: {  	_ =	swait.ge [sflag:s22], s20  }
0x9f: {  	s4 =	ssub.s32 $0x0, s20;
	[sflag:s22] =	ssyncset.done $0x0  }
0xa0: {  	[sflag:s22] =	ssyncadd.s32 s4;
	_ =	sdelay $0x1  }
0xa1: {  	s23 =	simm.s32 $0x1B8B  }
0xa2: {  	_ =	swait.ge [sflag:s23], $0x1  }
0xa3: {  	[sflag:s23] =	ssyncset.done $0x0  }
0xa4: {  	s25 =	simm.s32 $0x1B8E;
	s24 =	sld [smem:$0x3FFE];
	[sflag:s23] =	ssyncadd.s32 $0xFFFFFFFF  }
0xa5: {  	s26 =	simm.s32 $execute0_lowered;
	[smem:$0x3FD2] =	sst s25  }
0xa6: {  	s5 =	sshll.u32 s26, $0x1;
	_ =	strace $0x80000049;
	[dreg:$0x1] =	wrdreg $0xFFFFFFFF  }
0xa7: {  	s28 =	simm.s32 $_size_execute0_lowered;
	s3 =	sadd.s32 s3, s5;
	[dreg:$0x0] =	wrdreg $0x0  }
0xa8: {  	s5 =	sshll.u32 s28, $0x1;
	[dreg:$0x2] =	wrdreg s3  }
0xa9: {  	[dreg:$0x3] =	wrdreg s5  }
0xaa: {  	[dreg:$0x4] =	wrdreg $0xC0  }
0xab: {  	_ =	task [dreg:s7], $0x5FFFF  }
0xac: {  	[dreg:$0x1] =	wrdreg $0xFFFFFFFF  }
0xad: {  	[dreg:$0x0] =	wrdreg $0x60  }
0xae: {  	[dreg:$0x2] =	wrdreg s24  }
0xaf: {  	[dreg:$0x3] =	wrdreg s2  }
0xb0: {  	[dreg:$0x4] =	wrdreg $0x9  }
0xb1: {  	_ =	task.clear_ibuf [dreg:s7], $0x5FFFF;
	_ =	strace $0x90000049  }
0xb2: {  	s29 =	simm.s32 $0x9;
	_ =	strace $0x8000004B  }
0xb3: {  	_ =	swait.ge [sflag:s29], $0x1  }
0xb4: {  	[sflag:s29] =	ssyncadd.s32 $0xFFFFFFFF  }
0xb5: {  	_ =	strace $0x9000004B  }
0xb6: {  	_ =	sfence  }
0xb7: {  	s30 =	sld [smem:$0x0];
	_ =	sdelay $0x2  }
0xb8: {  	s31 =	sshll.u32 s1, $0xD;
	s1 =	sshrl.u32 s1, $0x2  }
0xb9: {  	s3 =	sand.u32 $0x4000, s31;
	s1 =	sadd.s32 s1, s30  }
0xba: {  	s0 =	sor.u32 s3, s0;
	s1 =	sshll.u32 s1, $0x11  }
0xbb: {  	s0 =	sor.u32 s1, s0  }
0xbc: {  	s0 =	sadd.s32 $0x8F2B, s0  }
0xbd: {  	[sflag:s0] =	ssyncadd.remote.s32 $0x1  }
0xbe: {  	_ =	sfence.sel $0xFFFF  }
0xbf: {  	[dreg:$0x0] =	wrdreg $0xFFFFFFFF;
	(pc) =	sbr.abs _section_cstart, $3  }
0xc0: {  	[dreg:$0x1] =	wrdreg $0xFFFFFFFF  }
0xc1: {  	_ =	task.clear_ibuf [dreg:s7], $0x2FFFF;
	_ =	strace $0x9FFFFFFF  }
0xc2: {  	(tm) =	ssettm $0x7FFFFFFF  }
0xc3: {  	_ =	shalt  }
tec
execute0_lowered:
.L_overlay_start_1:
0x0: {  	(tag) =	ssettag $0x1  }
0x1: {  	s4 =	rddreg [dreg:$0x0];
	s1 =	srdreg.scid  }
0x2: {  	s0 =	stileid.u32;
	s5 =	rddreg [dreg:$0x1];
	s2 =	simm.s32 $0x0  }
0x3: {  	s13 =	simm.s32 $0x0;
	s6 =	sand.u32 $0x1, s1;
	s1 =	rddreg [dreg:$0x2]  }
0x4: {  	s3 =	sshll.u32 s0, $0x1;
	[smem:$0x7FF] =	sst s2;
	s11 =	smul.u32 $0x9D000, s0  }
0x5: {  	s12 =	sadd.s32 $0x4E6800, s4;
	s3 =	sor.u32 s6, s3;
	s29 =	smul.u32 $0x4E800, s6  }
0x6: {  	_ =	strace $0x8000004A;
	s8 =	ssub.s32 $0x2, s6;
	s7 =	smul.u32 $0x9D0, s3  }
0x7: {  	s9 =	smul.u32 $0x4E800, s3;
	s3 =	sadd.s32 $0x275800, s4;
	s10 =	sshrl.u32 s8, $0x1  }
0x8: {  	s31 =	sadd.s32 s11, s12;
	s11 =	simm.s32 $0x2;
	s8 =	ssub.s32 s8, s10  }
0x9: {  	s10 =	simm.s32 $0x4E80;
	s4 =	sadd.s32 s5, s7;
	s30 =	sadd.s32 s12, s9  }
0xa: {  	s5 =	smax.u32 s8, $0x1;
	s7 =	sadd.s32 s29, s31;
	s8 =	simm.s32 $0x1  }
0xb: {  	s9 =	simm.s32 $0x80;
	s12 =	simm.s32 $0x3;
	s6 =	sadd.s32 $0x4E000, s30  }
.LBB2_1:
0xc: {  	[tilespmem:s2], [sflag:$0x1] =	stream.linear.gather [hbm4b:s4+s2], $0x4E80, $0x38;
	[tilespmem:$0x8E80] =	vst v63  }
0xd: {  	_ =	swait.ge [sflag:s8], $0x4E80  }
0xe: {  	[sflag:s8] =	ssyncset.done $0x0  }
0xf: {  	[sflag:s8] =	ssyncadd.s32 $0xFFFFB180  }
0x10: {  	[tilespmem:s10], [sflag:$0x2] =	stream.indirect.gather [hbm4b:s3+s9], $0x80, s2, s9, $0xb8;
	[tilespmem:$0x8E80] =	vst v63  }
0x11: {  	_ =	swait.ge [sflag:s11], $0x4000  }
0x12: {  	[sflag:s11] =	ssyncset.done $0x0  }
0x13: {  	[sflag:s11] =	ssyncadd.s32 $0xFFFFC000  }
0x14: {  	[hbm4b:s7+s2] =	stream.linear.scatter [tilespmem:s10], [sflag:$0x3], $0x4000, $0x38;
	[tilespmem:$0x8E80] =	vst v63  }
0x15: {  	_ =	swait.ge [sflag:s12], $0x4000  }
0x16: {  	s14 =	simm.s32 $0x400;
	[sflag:s12] =	ssyncset.done $0x0  }
0x17: {  	s16 =	simm.s32 $0x80;
	s15 =	sadd.s32 $0x800, s7;
	[sflag:s12] =	ssyncadd.s32 $0xFFFFC000  }
.LBB2_2:
0x18: {  	[tilespmem:s10], [sflag:$0x2] =	stream.indirect.gather [hbm4b:s3+s9], $0x80, s16, s9, $0xb8;
	[tilespmem:$0x8E80] =	vst v63  }
0x19: {  	s16 =	smov.u32 s14  }
0x1a: {  	p0 =	sne.s32 s14, $0x13800;
	s14 =	sadd.s32 $0x200, s14;
	_ =	swait.ge [sflag:s11], $0x4000  }
0x1b: {  	[sflag:s11] =	ssyncset.done $0x0  }
.Ltmp0:
0x1c: {  	[sflag:s11] =	ssyncadd.s32 $0xFFFFC000;
	(pc) =	sbr.rel @p0 .LBB2_2-.Ltmp0, $4  }
0x1d: {  	[hbm4b:s15+s2] =	stream.linear.scatter [tilespmem:s10], [sflag:$0x3], $0x4000, $0x38;
	[tilespmem:$0x8E80] =	vst v63  }
0x1e: {  	_ =	swait.ge [sflag:s12], $0x4000  }
0x1f: {  	[sflag:s12] =	ssyncset.done $0x0  }
0x20: {  	s16 =	sshra.s32 s16, $0x2;
	s15 =	sadd.s32 $0x800, s15;
	[sflag:s12] =	ssyncadd.s32 $0xFFFFC000  }
0x21: {  	[tilespmem:s10], [sflag:$0x2] =	stream.indirect.gather [hbm4b:s3+s9], $0x80, s16, s9, $0xb8;
	[tilespmem:$0x8E80] =	vst v63  }
0x22: {  	s13 =	sadd.s32 $0x1, s13;
	_ =	swait.ge [sflag:s11], $0x4000  }
0x23: {  	p0 =	sne.s32 s13, s5;
	[sflag:s11] =	ssyncset.done $0x0  }
.Ltmp1:
0x24: {  	[sflag:s11] =	ssyncadd.s32 $0xFFFFC000;
	(pc) =	sbr.rel @p0 .LBB2_1-.Ltmp1, $4  }
0x25: {  	[hbm4b:s6+s2] =	stream.linear.scatter [tilespmem:s10], [sflag:$0x3], $0x4000, $0x38;
	[tilespmem:$0x8E80] =	vst v63  }
0x26: {  	_ =	swait.ge [sflag:s12], $0x4000  }
0x27: {  	[sflag:s12] =	ssyncset.done $0x0  }
0x28: {  	[sflag:s12] =	ssyncadd.s32 $0xFFFFC000  }
0x29: {  	_ =	sfence.sel $0x180000  }
0x2a: {  	[bflag:$0x0] =	sbarrier.arrive $0xFFFF  }
0x2b: {  	p0 =	sne.s32 s0, $0x0;
	_ =	strace $0x9000004A  }
0x2c: {  	s0 =	sadd.s32 @!p0 $0x100000, s1;
	[bflag:$0x2] =	sbarrier.arrive $0xFFFF  }
0x2d: {  	[sflag:s0] =	ssyncadd.tile.s32 @!p0 $0x1;
	_ =	shalt  }
.Lfunc_end2:
_tile_overlayer_lowered:
.L_overlay_start_2:
0x2e: {  	(tag) =	ssettag $0x2  }
0x2f: {  	s0 =	rddreg [dreg:$0x0];
	s2 =	stileid.u32  }
0x30: {  	s1 =	rddreg [dreg:$0x1];
	p0 =	sne.s32 s2, $0x0  }
0x31: {  	s3 =	rddreg [dreg:$0x2];
	[bflag:$0x3] =	sbarrier.arrive $0xFFFF;
	s2 =	simm.s32 @!p0 $0x1C04  }
0x32: {  	[timem:s3], [sflag:s2] =	dma.local @!p0 [hbm:s0], s1  }
0x33: {  	s0 =	simm.s32 @!p0 $0x4  }
0x34: {  	_ =	swait.ge @!p0 [sflag:s0], s1  }
0x35: {  	s1 =	ssub.s32 @!p0 $0x0, s1;
	[sflag:s0] =	ssyncset.done @!p0 $0x0  }
0x36: {  	[sflag:s0] =	ssyncadd.s32 @!p0 s1  }
0x37: {  	[bflag:$0x3] =	sbarrier.arrive $0xFFFF  }
0x38: {  	_ =	shalt  }

// kernel: kernel.15.cloned.1.call-start
scs
__scs_entry_jumppad:
0x0: {  	(pc) =	sbr.rel $0x88, $3  }
0x1: {  	(tag) =	ssettag $0x0;
	lr =	simm.s32 $0x1  }
0x2: {  	[smem:$0x3F93] =	sst lr;
	_ =	strace $0xD0000000  }
0x3: {  	_ = 	snop  }
0x4: {  	_ = 	snop  }
0x5: {  	_ = 	snop  }
0x6: {  	_ = 	snop  }
0x7: {  	_ = 	snop  }
__scs_overlays_trampoline_lowered:
0x8: {  	[smem:$0x3FA2] =	sst s0  }
0x9: {  	[smem:$0x3FA3] =	sst s1  }
0xa: {  	[smem:$0x3FA4] =	sst s2  }
0xb: {  	[smem:$0x3FA5] =	sst s3  }
0xc: {  	[smem:$0x3FA6] =	sst s4  }
0xd: {  	[smem:$0x3FA7] =	sst s5  }
0xe: {  	[smem:$0x3FA8] =	sst s6  }
0xf: {  	[smem:$0x3FA9] =	sst s7  }
0x10: {  	[smem:$0x3FAA] =	sst s8  }
0x11: {  	[smem:$0x3FAB] =	sst s9;
	s0 =	simm.s32 @!p0 $0x0  }
0x12: {  	s1 =	sld [smem:$0x3F91];
	s0 =	simm.s32 @p0 $0x1  }
0x13: {  	[smem:$0x3FAC] =	sst s0;
	s0 =	simm.s32 @!p1 $0x0  }
0x14: {  	s2 =	sld [smem:$0x3F90];
	s0 =	simm.s32 @p1 $0x1  }
0x15: {  	[smem:$0x3FAD] =	sst s0;
	s0 =	simm.s32 @!p2 $0x0  }
0x16: {  	s3 =	sld [smem:$0x3FDB];
	s0 =	simm.s32 @p2 $0x1  }
0x17: {  	s4 =	simm.s32 $0x1BF5;
	[smem:$0x3FAF] =	sst s0  }
0x18: {  	s0 =	sld [smem:$0x3F92];
	_ =	swait.ge [sflag:s4], $0x0  }
0x19: {  	s7 =	sld [smem:$0x3F93]  }
0x1a: {  	s8 =	sadd.s32 $0xFFFFE003, lr  }
0x1b: {  	s9 =	sadd.s32 $0xFFFFFEF7, lr;
	s5 =	simm.s32 $0xFFFFFFFF;
	p2 =	slt.u32 s8, $0xFFFFF086  }
0x1c: {  	p1 =	slt.u32 s9, $0xF7A;
	s5 =	simm.s32 @!p2 $0x0  }
0x1d: {  	s5 =	simm.s32 @p1 $0x1;
	p0 =	seq.s32 s7, s2  }
0x1e: {  	s7 =	smul.u32 @!p0 $0xF7A, s2;
	p2 =	seq.s32 @!p0 s5, $0x0  }
0x1f: {  	s9 =	smul.u32 $0xF7A, s1;
	s8 =	simm.s32 @!p0 $0x1BF5;
	p2 =	por !p2, p0  }
0x20: {  	[sflag:s8] =	ssyncset.s32 @!p0 $0xFFFFF086;
	s6 =	sadd.s32 @!p0 s3, s7;
	s7 =	simm.s32 @!p0 $0x108  }
0x21: {  	s3 =	sadd.s32 s3, s9;
	s6 =	sadd.s32 @!p0 $0x88, s6;
	s7 =	simm.s32 @p2 $0x1082  }
0x22: {  	[simem:s7], [sflag:s8] =	dma.local @!p0 [hbm:s6], $0xF7A  }
0x23: {  	s9 =	sor.u32 $0xD0000000, s2;
	s6 =	simm.s32 $0x108;
	_ =	swait.ge @!p0 [sflag:s8], $0x0  }
0x24: {  	s3 =	sadd.s32 $0x88, s3;
	s6 =	simm.s32 @!p1 $0x1082;
	[sflag:s4] =	ssyncset.s32 $0xFFFFF086  }
0x25: {  	[simem:s6], [sflag:s4] =	dma.local [hbm:s3], $0xF7A  }
0x26: {  	[smem:$0x3F93] =	sst s1;
	(tag) =	ssettag s2;
	_ =	strace s9  }
0x27: {  	s1 =	sld [smem:$0x3FA3]  }
0x28: {  	s2 =	sld [smem:$0x3FA4]  }
0x29: {  	s4 =	sld [smem:$0x3FA6]  }
0x2a: {  	p0 =	seq.s32 s5, $0x0;
	s5 =	sld [smem:$0x3FA7]  }
0x2b: {  	s6 =	sld [smem:$0x3FA8]  }
0x2c: {  	s7 =	sld [smem:$0x3FA9]  }
0x2d: {  	s3 =	simm.s32 $0x108;
	s8 =	sld [smem:$0x3FAA]  }
0x2e: {  	s3 =	simm.s32 @!p0 $0x1082;
	s9 =	sld [smem:$0x3FAB]  }
0x2f: {  	lr =	sadd.s32 s0, s3;
	s0 =	sld [smem:$0x3FA2]  }
0x30: {  	s3 =	sld [smem:$0x3FA5]  }
0x31: {  	[smem:$0x3FAE] =	sst s10  }
0x32: {  	s10 =	sld [smem:$0x3FAC];
	_ =	sdelay $0x3  }
0x33: {  	p0 =	seq.s32 s10, $0x1;
	s10 =	sld [smem:$0x3FAE];
	_ =	sdelay $0x3  }
0x34: {  	[smem:$0x3FAE] =	sst s10  }
0x35: {  	s10 =	sld [smem:$0x3FAD];
	_ =	sdelay $0x3  }
0x36: {  	p1 =	seq.s32 s10, $0x1;
	s10 =	sld [smem:$0x3FAE];
	_ =	sdelay $0x3  }
0x37: {  	[smem:$0x3FAE] =	sst s10  }
0x38: {  	s10 =	sld [smem:$0x3FAF]  }
0x39: {  	_ = 	snop;
	(pc) =	sbr.ind lr, $3  }
0x3a: {  	_ = 	snop  }
0x3b: {  	_ = 	snop  }
0x3c: {  	p2 =	seq.s32 s10, $0x1;
	s10 =	sld [smem:$0x3FAE]  }
0x3d: {  	_ =	shalt  }
0x3e: {  	_ =	shalt  }
0x3f: {  	_ =	shalt  }
0x40: {  	_ =	shalt  }
0x41: {  	_ =	shalt  }
0x42: {  	_ =	shalt  }
0x43: {  	_ =	shalt  }
0x44: {  	_ =	shalt  }
0x45: {  	_ =	shalt  }
0x46: {  	_ =	shalt  }
0x47: {  	_ =	shalt  }
0x48: {  	_ =	shalt  }
0x49: {  	_ =	shalt  }
0x4a: {  	_ =	shalt  }
0x4b: {  	_ =	shalt  }
0x4c: {  	_ =	shalt  }
0x4d: {  	_ =	shalt  }
0x4e: {  	_ =	shalt  }
0x4f: {  	_ =	shalt  }
0x50: {  	_ =	shalt  }
0x51: {  	_ =	shalt  }
0x52: {  	_ =	shalt  }
0x53: {  	_ =	shalt  }
0x54: {  	_ =	shalt  }
0x55: {  	_ =	shalt  }
0x56: {  	_ =	shalt  }
0x57: {  	_ =	shalt  }
0x58: {  	_ =	shalt  }
0x59: {  	_ =	shalt  }
0x5a: {  	_ =	shalt  }
0x5b: {  	_ =	shalt  }
0x5c: {  	_ =	shalt  }
0x5d: {  	_ =	shalt  }
0x5e: {  	_ =	shalt  }
0x5f: {  	_ =	shalt  }
0x60: {  	_ =	shalt  }
0x61: {  	_ =	shalt  }
0x62: {  	_ =	shalt  }
0x63: {  	_ =	shalt  }
0x64: {  	_ =	shalt  }
0x65: {  	_ =	shalt  }
0x66: {  	_ =	shalt  }
0x67: {  	_ =	shalt  }
0x68: {  	_ =	shalt  }
0x69: {  	_ =	shalt  }
0x6a: {  	_ =	shalt  }
0x6b: {  	_ =	shalt  }
0x6c: {  	_ =	shalt  }
0x6d: {  	_ =	shalt  }
0x6e: {  	_ =	shalt  }
0x6f: {  	_ =	shalt  }
0x70: {  	_ =	shalt  }
0x71: {  	_ =	shalt  }
0x72: {  	_ =	shalt  }
0x73: {  	_ =	shalt  }
0x74: {  	_ =	shalt  }
0x75: {  	_ =	shalt  }
0x76: {  	_ =	shalt  }
0x77: {  	_ =	shalt  }
0x78: {  	_ =	shalt  }
0x79: {  	_ =	shalt  }
0x7a: {  	_ =	shalt  }
0x7b: {  	_ =	shalt  }
0x7c: {  	_ =	shalt  }
0x7d: {  	_ =	shalt  }
0x7e: {  	_ =	shalt  }
0x7f: {  	_ =	shalt  }
0x80: {  	_ =	shalt  }
0x81: {  	_ =	shalt  }
0x82: {  	_ =	shalt  }
0x83: {  	_ =	shalt  }
0x84: {  	_ =	shalt  }
0x85: {  	_ =	shalt  }
0x86: {  	_ =	shalt  }
0x87: {  	_ =	shalt  }
.Lfunc_end0:
.L_simem_size_0:
called_computation.2_lowered:
.L_overlay_start_0:
0x88: {  	s2 =	sld [smem:$0x3FD9]  }
0x89: {  	s3 =	sld [smem:$0x3FFE];
	_ =	sdelay $0x1  }
0x8a: {  	s1 =	srdreg.scid  }
0x8b: {  	s0 =	sand.u32 $0x1, s1  }
0x8c: {  	s16 =	sshll.u32 s0, $0xA;
	s2 =	sadd.s32 s3, s2  }
0x8d: {  	s2 =	sadd.s32 s2, s16  }
0x8e: {  	[smem:$0x3FBA] =	sst s2  }
0x8f: {  	_ = 	snop  }
0x90: {  	(tm) =	ssettm $0x1  }
0x91: {  	s17 =	sld [smem:$0x3FFB];
	_ =	sdelay $0x3  }
0x92: {  	_ =	strace s17  }
0x93: {  	s2 =	sld [smem:$0x3FFC];
	_ =	sdelay $0x3  }
0x94: {  	_ =	strace s2  }
0x95: {  	s2 =	sld [smem:$0x3FFD];
	_ =	sdelay $0x3  }
0x96: {  	_ =	strace s2  }
0x97: {  	_ =	strace $0x8FFFFFFF  }
0x98: {  	s18 =	sld [smem:$0x3FDB];
	_ =	sdelay $0x1  }
0x99: {  	s19 =	simm.s32 $_scs_section_size  }
0x9a: {  	s4 =	simm.s32 $_size__tile_overlayer_lowered;
	s5 =	simm.s32 $_tile_overlayer_lowered  }
0x9b: {  	s22 =	simm.s32 $0x1BFF;
	s21 =	sshll.u32 s5, $0x1;
	s2 =	sadd.s32 s19, s18  }
0x9c: {  	s6 =	simm.s32 $0x0;
	s20 =	sshll.u32 s4, $0x1;
	s4 =	sadd.s32 s21, s2  }
0x9d: {  	[timem:s6], [sflag:s22] =	dma.local [hbm:s4], s20  }
0x9e: {  	_ =	swait.ge [sflag:s22], s20  }
0x9f: {  	s3 =	ssub.s32 $0x0, s20;
	[sflag:s22] =	ssyncset.done $0x0  }
0xa0: {  	[sflag:s22] =	ssyncadd.s32 s3;
	_ =	sdelay $0x1  }
0xa1: {  	s23 =	simm.s32 $0x1B8B  }
0xa2: {  	_ =	swait.ge [sflag:s23], $0x1  }
0xa3: {  	[sflag:s23] =	ssyncset.done $0x0  }
0xa4: {  	s25 =	simm.s32 $0x1B8E;
	s24 =	sld [smem:$0x3FFE];
	[sflag:s23] =	ssyncadd.s32 $0xFFFFFFFF  }
0xa5: {  	s26 =	simm.s32 $execute0_lowered;
	[smem:$0x3FD2] =	sst s25  }
0xa6: {  	s4 =	sshll.u32 s26, $0x1;
	_ =	strace $0x8000004C;
	[dreg:$0x1] =	wrdreg $0xFFFFFFFF  }
0xa7: {  	s28 =	simm.s32 $_size_execute0_lowered;
	s2 =	sadd.s32 s2, s4;
	[dreg:$0x0] =	wrdreg $0x0  }
0xa8: {  	s4 =	sshll.u32 s28, $0x1;
	[dreg:$0x2] =	wrdreg s2  }
0xa9: {  	[dreg:$0x3] =	wrdreg s4  }
0xaa: {  	[dreg:$0x4] =	wrdreg $0xC0  }
0xab: {  	_ =	task [dreg:s6], $0x5FFFF  }
0xac: {  	[dreg:$0x1] =	wrdreg $0xFFFFFFFF  }
0xad: {  	[dreg:$0x0] =	wrdreg $0x60  }
0xae: {  	[dreg:$0x2] =	wrdreg s24  }
0xaf: {  	[dreg:$0x3] =	wrdreg $0x9  }
0xb0: {  	_ =	task.clear_ibuf [dreg:s6], $0x4FFFF;
	_ =	strace $0x9000004C  }
0xb1: {  	s29 =	simm.s32 $0x9;
	_ =	strace $0x8000004E  }
0xb2: {  	_ =	swait.ge [sflag:s29], $0x1  }
0xb3: {  	[sflag:s29] =	ssyncadd.s32 $0xFFFFFFFF  }
0xb4: {  	_ =	strace $0x9000004E  }
0xb5: {  	_ =	sfence  }
0xb6: {  	s30 =	sld [smem:$0x0];
	_ =	sdelay $0x2  }
0xb7: {  	s31 =	sshll.u32 s1, $0xD;
	s1 =	sshrl.u32 s1, $0x2  }
0xb8: {  	s3 =	sand.u32 $0x4000, s31;
	s1 =	sadd.s32 s1, s30  }
0xb9: {  	s0 =	sor.u32 s3, s0;
	s1 =	sshll.u32 s1, $0x11  }
0xba: {  	s0 =	sor.u32 s1, s0  }
0xbb: {  	s0 =	sadd.s32 $0x8F2B, s0  }
0xbc: {  	[sflag:s0] =	ssyncadd.remote.s32 $0x1  }
0xbd: {  	_ =	sfence.sel $0xFFFF  }
0xbe: {  	[dreg:$0x0] =	wrdreg $0xFFFFFFFF;
	(pc) =	sbr.abs _section_cstart, $3  }
0xbf: {  	[dreg:$0x1] =	wrdreg $0xFFFFFFFF  }
0xc0: {  	_ =	task.clear_ibuf [dreg:s6], $0x2FFFF;
	_ =	strace $0x9FFFFFFF  }
0xc1: {  	(tm) =	ssettm $0x7FFFFFFF  }
tec
execute0_lowered:
.L_overlay_start_1:
0x0: {  	(tag) =	ssettag $0x1  }
0x1: {  	s1 =	srdreg.scid;
	s0 =	stileid.u32  }
0x2: {  	s30 =	sand.u32 $0x1, s1;
	s26 =	sshll.u32 s0, $0x1  }
0x3: {  	s7 =	sor.u32 s30, s26  }
0x4: {  	s3 =	smul.u32 $0xA0, s7  }
0x5: {  	s9 =	rddreg [dreg:$0x0]  }
0x6: {  	s2 =	simm.s32 $0x0;
	s3 =	sadd.s32 s3, s9  }
0x7: {  	[smem:$0x7FF] =	sst s2;
	s3 =	sadd.s32 $0xEB7E00, s3  }
0x8: {  	_ =	strace $0x8000004D;
	[dreg:$0x2] =	wrdreg s3  }
0x9: {  	s3 =	simm.s32 $0x1;
	s4 =	rddreg [dreg:$0x2]  }
0xa: {  	[tilespmem:s2], [sflag:$0x1] =	stream.linear.gather [hbm4b:s4+s2], $0x500, $0x38;
	[tilespmem:$0x8500] =	vst v63  }
0xb: {  	_ =	swait.ge [sflag:s3], $0x500  }
0xc: {  	s5 =	simm.s32 $0x80;
	[sflag:s3] =	ssyncset.done $0x0  }
0xd: {  	s6 =	simm.s32 $0x500;
	s4 =	sadd.s32 $0x275600, s9;
	[sflag:s3] =	ssyncadd.s32 $0xFFFFFB00  }
0xe: {  	[tilespmem:s6], [sflag:$0x2] =	stream.indirect.gather [hbm4b:s4+s5], $0x80, s2, s5, $0xb8;
	[tilespmem:$0x8500] =	vst v63  }
0xf: {  	s8 =	simm.s32 $0x2;
	s10 =	smul.u32 $0x5000, s7;
	s7 =	simm.s32 $0x4500  }
0x10: {  	[tilespmem:s7], [sflag:$0x3] =	stream.indirect.gather [hbm4b:s4+s5], $0x80, s5, s5, $0xb8;
	[tilespmem:$0x8500] =	vst v63  }
0x11: {  	_ =	swait.ge [sflag:s8], $0x4000  }
0x12: {  	s31 =	sadd.s32 s10, s9;
	[sflag:s8] =	ssyncset.done $0x0  }
0x13: {  	s10 =	simm.s32 $0x4;
	s9 =	sadd.s32 $0x4600, s31;
	[sflag:s8] =	ssyncadd.s32 $0xFFFFC000  }
0x14: {  	[hbm4b:s9+s2] =	stream.linear.scatter [tilespmem:s6], [sflag:$0x4], $0x4000, $0x38;
	[tilespmem:$0x8500] =	vst v63  }
0x15: {  	_ =	swait.ge [sflag:s10], $0x4000  }
0x16: {  	[sflag:s10] =	ssyncset.done $0x0  }
0x17: {  	s11 =	simm.s32 $0x100;
	s12 =	simm.s32 $0x3;
	[sflag:s10] =	ssyncadd.s32 $0xFFFFC000  }
0x18: {  	[tilespmem:s6], [sflag:$0x2] =	stream.indirect.gather [hbm4b:s4+s5], $0x80, s11, s5, $0xb8;
	[tilespmem:$0x8500] =	vst v63  }
0x19: {  	_ =	swait.ge [sflag:s12], $0x4000  }
0x1a: {  	[sflag:s12] =	ssyncset.done $0x0  }
0x1b: {  	s13 =	simm.s32 $0x5;
	s14 =	sadd.s32 $0x4E00, s31;
	[sflag:s12] =	ssyncadd.s32 $0xFFFFC000  }
0x1c: {  	[hbm4b:s14+s2] =	stream.linear.scatter [tilespmem:s7], [sflag:$0x5], $0x4000, $0x38;
	[tilespmem:$0x8500] =	vst v63  }
0x1d: {  	_ =	swait.ge [sflag:s13], $0x4000  }
0x1e: {  	[sflag:s13] =	ssyncset.done $0x0  }
0x1f: {  	s15 =	simm.s32 $0x180;
	[sflag:s13] =	ssyncadd.s32 $0xFFFFC000  }
0x20: {  	[tilespmem:s7], [sflag:$0x3] =	stream.indirect.gather [hbm4b:s4+s5], $0x80, s15, s5, $0xb8;
	[tilespmem:$0x8500] =	vst v63  }
0x21: {  	_ =	swait.ge [sflag:s8], $0x4000  }
0x22: {  	[sflag:s8] =	ssyncset.done $0x0  }
0x23: {  	s16 =	sadd.s32 $0x5600, s31;
	[sflag:s8] =	ssyncadd.s32 $0xFFFFC000  }
0x24: {  	[hbm4b:s16+s2] =	stream.linear.scatter [tilespmem:s6], [sflag:$0x4], $0x4000, $0x38;
	[tilespmem:$0x8500] =	vst v63  }
0x25: {  	_ =	swait.ge [sflag:s10], $0x4000  }
0x26: {  	[sflag:s10] =	ssyncset.done $0x0  }
0x27: {  	s17 =	simm.s32 $0x200;
	[sflag:s10] =	ssyncadd.s32 $0xFFFFC000  }
0x28: {  	[tilespmem:s6], [sflag:$0x2] =	stream.indirect.gather [hbm4b:s4+s5], $0x80, s17, s5, $0xb8;
	[tilespmem:$0x8500] =	vst v63  }
0x29: {  	_ =	swait.ge [sflag:s12], $0x4000  }
0x2a: {  	[sflag:s12] =	ssyncset.done $0x0  }
0x2b: {  	s18 =	sadd.s32 $0x5E00, s31;
	[sflag:s12] =	ssyncadd.s32 $0xFFFFC000  }
0x2c: {  	[hbm4b:s18+s2] =	stream.linear.scatter [tilespmem:s7], [sflag:$0x5], $0x4000, $0x38;
	[tilespmem:$0x8500] =	vst v63  }
0x2d: {  	_ =	swait.ge [sflag:s13], $0x4000  }
0x2e: {  	[sflag:s13] =	ssyncset.done $0x0  }
0x2f: {  	s19 =	simm.s32 $0x280;
	[sflag:s13] =	ssyncadd.s32 $0xFFFFC000  }
0x30: {  	[tilespmem:s7], [sflag:$0x3] =	stream.indirect.gather [hbm4b:s4+s5], $0x80, s19, s5, $0xb8;
	[tilespmem:$0x8500] =	vst v63  }
0x31: {  	_ =	swait.ge [sflag:s8], $0x4000  }
0x32: {  	[sflag:s8] =	ssyncset.done $0x0  }
0x33: {  	s20 =	sadd.s32 $0x6600, s31;
	[sflag:s8] =	ssyncadd.s32 $0xFFFFC000  }
0x34: {  	[hbm4b:s20+s2] =	stream.linear.scatter [tilespmem:s6], [sflag:$0x4], $0x4000, $0x38;
	[tilespmem:$0x8500] =	vst v63  }
0x35: {  	_ =	swait.ge [sflag:s10], $0x4000  }
0x36: {  	[sflag:s10] =	ssyncset.done $0x0  }
0x37: {  	s21 =	simm.s32 $0x300;
	[sflag:s10] =	ssyncadd.s32 $0xFFFFC000  }
0x38: {  	[tilespmem:s6], [sflag:$0x2] =	stream.indirect.gather [hbm4b:s4+s5], $0x80, s21, s5, $0xb8;
	[tilespmem:$0x8500] =	vst v63  }
0x39: {  	_ =	swait.ge [sflag:s12], $0x4000  }
0x3a: {  	[sflag:s12] =	ssyncset.done $0x0  }
0x3b: {  	s22 =	sadd.s32 $0x6E00, s31;
	[sflag:s12] =	ssyncadd.s32 $0xFFFFC000  }
0x3c: {  	[hbm4b:s22+s2] =	stream.linear.scatter [tilespmem:s7], [sflag:$0x5], $0x4000, $0x38;
	[tilespmem:$0x8500] =	vst v63  }
0x3d: {  	_ =	swait.ge [sflag:s13], $0x4000  }
0x3e: {  	[sflag:s13] =	ssyncset.done $0x0  }
0x3f: {  	s23 =	simm.s32 $0x380;
	[sflag:s13] =	ssyncadd.s32 $0xFFFFC000  }
0x40: {  	[tilespmem:s7], [sflag:$0x3] =	stream.indirect.gather [hbm4b:s4+s5], $0x80, s23, s5, $0xb8;
	[tilespmem:$0x8500] =	vst v63  }
0x41: {  	_ =	swait.ge [sflag:s8], $0x4000  }
0x42: {  	[sflag:s8] =	ssyncset.done $0x0  }
0x43: {  	s24 =	sadd.s32 $0x7600, s31;
	[sflag:s8] =	ssyncadd.s32 $0xFFFFC000  }
0x44: {  	[hbm4b:s24+s2] =	stream.linear.scatter [tilespmem:s6], [sflag:$0x4], $0x4000, $0x38;
	[tilespmem:$0x8500] =	vst v63  }
0x45: {  	_ =	swait.ge [sflag:s10], $0x4000  }
0x46: {  	[sflag:s10] =	ssyncset.done $0x0  }
0x47: {  	s25 =	simm.s32 $0x400;
	[sflag:s10] =	ssyncadd.s32 $0xFFFFC000  }
0x48: {  	[tilespmem:s6], [sflag:$0x2] =	stream.indirect.gather [hbm4b:s4+s5], $0x80, s25, s5, $0xb8;
	[tilespmem:$0x8500] =	vst v63  }
0x49: {  	_ =	swait.ge [sflag:s12], $0x4000  }
0x4a: {  	[sflag:s12] =	ssyncset.done $0x0  }
0x4b: {  	s26 =	sadd.s32 $0x7E00, s31;
	[sflag:s12] =	ssyncadd.s32 $0xFFFFC000  }
0x4c: {  	[hbm4b:s26+s2] =	stream.linear.scatter [tilespmem:s7], [sflag:$0x5], $0x4000, $0x38;
	[tilespmem:$0x8500] =	vst v63  }
0x4d: {  	_ =	swait.ge [sflag:s13], $0x4000  }
0x4e: {  	[sflag:s13] =	ssyncset.done $0x0  }
0x4f: {  	s28 =	simm.s32 $0x480;
	[sflag:s13] =	ssyncadd.s32 $0xFFFFC000  }
0x50: {  	[tilespmem:s7], [sflag:$0x3] =	stream.indirect.gather [hbm4b:s4+s5], $0x80, s28, s5, $0xb8;
	[tilespmem:$0x8500] =	vst v63  }
0x51: {  	_ =	swait.ge [sflag:s8], $0x4000  }
0x52: {  	s1 =	ssub.s32 $0x2, s30;
	s29 =	sadd.s32 $0x8600, s31;
	[sflag:s8] =	ssyncset.done $0x0  }
0x53: {  	s30 =	sadd.s32 $0x8E00, s31;
	s31 =	sshrl.u32 s1, $0x1;
	[sflag:s8] =	ssyncadd.s32 $0xFFFFC000  }
0x54: {  	[hbm4b:s29+s2] =	stream.linear.scatter [tilespmem:s6], [sflag:$0x4], $0x4000, $0x38;
	[tilespmem:$0x8500] =	vst v63  }
0x55: {  	s1 =	ssub.s32 s1, s31;
	_ =	swait.ge [sflag:s12], $0x4000  }
0x56: {  	s1 =	smax.u32 s1, $0x1;
	[sflag:s12] =	ssyncset.done $0x0  }
0x57: {  	p0 =	sne.s32 s1, $0x1;
	[sflag:s12] =	ssyncadd.s32 $0xFFFFC000  }
0x58: {  	[hbm4b:s30+s2] =	stream.linear.scatter [tilespmem:s7], [sflag:$0x5], $0x4000, $0x38;
	[tilespmem:$0x8500] =	vst v63  }
.Ltmp0:
0x59: {  	_ =	swait.ge [sflag:s10], $0x4000;
	(pc) =	sbr.rel @!p0 .LBB2_2-.Ltmp0, $4  }
0x5a: {  	[sflag:s10] =	ssyncset.done $0x0  }
0x5b: {  	[sflag:s10] =	ssyncadd.s32 $0xFFFFC000  }
0x5c: {  	_ =	swait.ge [sflag:s13], $0x4000  }
0x5d: {  	s31 =	sadd.s32 $0xFFFFFFFF, s1;
	[sflag:s13] =	ssyncset.done $0x0  }
.LBB2_1:
0x5e: {  	s1 =	rddreg [dreg:$0x2];
	[sflag:s13] =	ssyncadd.s32 $0xFFFFC000  }
0x5f: {  	[tilespmem:s2], [sflag:$0x1] =	stream.linear.gather [hbm4b:s1+s2], $0x500, $0x38;
	[tilespmem:$0x8500] =	vst v63  }
0x60: {  	_ =	swait.ge [sflag:s3], $0x500  }
0x61: {  	[sflag:s3] =	ssyncset.done $0x0  }
0x62: {  	[sflag:s3] =	ssyncadd.s32 $0xFFFFFB00  }
0x63: {  	[tilespmem:s6], [sflag:$0x2] =	stream.indirect.gather [hbm4b:s4+s5], $0x80, s2, s5, $0xb8;
	[tilespmem:$0x8500] =	vst v63  }
0x64: {  	_ = 	snop  }
0x65: {  	[tilespmem:s7], [sflag:$0x3] =	stream.indirect.gather [hbm4b:s4+s5], $0x80, s5, s5, $0xb8;
	[tilespmem:$0x8500] =	vst v63  }
0x66: {  	_ =	swait.ge [sflag:s8], $0x4000  }
0x67: {  	[sflag:s8] =	ssyncset.done $0x0  }
0x68: {  	[sflag:s8] =	ssyncadd.s32 $0xFFFFC000  }
0x69: {  	[hbm4b:s9+s2] =	stream.linear.scatter [tilespmem:s6], [sflag:$0x4], $0x4000, $0x38;
	[tilespmem:$0x8500] =	vst v63  }
0x6a: {  	_ =	swait.ge [sflag:s10], $0x4000  }
0x6b: {  	[sflag:s10] =	ssyncset.done $0x0  }
0x6c: {  	[sflag:s10] =	ssyncadd.s32 $0xFFFFC000  }
0x6d: {  	[tilespmem:s6], [sflag:$0x2] =	stream.indirect.gather [hbm4b:s4+s5], $0x80, s11, s5, $0xb8;
	[tilespmem:$0x8500] =	vst v63  }
0x6e: {  	_ =	swait.ge [sflag:s12], $0x4000  }
0x6f: {  	[sflag:s12] =	ssyncset.done $0x0  }
0x70: {  	[sflag:s12] =	ssyncadd.s32 $0xFFFFC000  }
0x71: {  	[hbm4b:s14+s2] =	stream.linear.scatter [tilespmem:s7], [sflag:$0x5], $0x4000, $0x38;
	[tilespmem:$0x8500] =	vst v63  }
0x72: {  	_ =	swait.ge [sflag:s13], $0x4000  }
0x73: {  	[sflag:s13] =	ssyncset.done $0x0  }
0x74: {  	[sflag:s13] =	ssyncadd.s32 $0xFFFFC000  }
0x75: {  	[tilespmem:s7], [sflag:$0x3] =	stream.indirect.gather [hbm4b:s4+s5], $0x80, s15, s5, $0xb8;
	[tilespmem:$0x8500] =	vst v63  }
0x76: {  	_ =	swait.ge [sflag:s8], $0x4000  }
0x77: {  	[sflag:s8] =	ssyncset.done $0x0  }
0x78: {  	[sflag:s8] =	ssyncadd.s32 $0xFFFFC000  }
0x79: {  	[hbm4b:s16+s2] =	stream.linear.scatter [tilespmem:s6], [sflag:$0x4], $0x4000, $0x38;
	[tilespmem:$0x8500] =	vst v63  }
0x7a: {  	_ =	swait.ge [sflag:s10], $0x4000  }
0x7b: {  	[sflag:s10] =	ssyncset.done $0x0  }
0x7c: {  	[sflag:s10] =	ssyncadd.s32 $0xFFFFC000  }
0x7d: {  	[tilespmem:s6], [sflag:$0x2] =	stream.indirect.gather [hbm4b:s4+s5], $0x80, s17, s5, $0xb8;
	[tilespmem:$0x8500] =	vst v63  }
0x7e: {  	_ =	swait.ge [sflag:s12], $0x4000  }
0x7f: {  	[sflag:s12] =	ssyncset.done $0x0  }
0x80: {  	[sflag:s12] =	ssyncadd.s32 $0xFFFFC000  }
0x81: {  	[hbm4b:s18+s2] =	stream.linear.scatter [tilespmem:s7], [sflag:$0x5], $0x4000, $0x38;
	[tilespmem:$0x8500] =	vst v63  }
0x82: {  	_ =	swait.ge [sflag:s13], $0x4000  }
0x83: {  	[sflag:s13] =	ssyncset.done $0x0  }
0x84: {  	[sflag:s13] =	ssyncadd.s32 $0xFFFFC000  }
0x85: {  	[tilespmem:s7], [sflag:$0x3] =	stream.indirect.gather [hbm4b:s4+s5], $0x80, s19, s5, $0xb8;
	[tilespmem:$0x8500] =	vst v63  }
0x86: {  	_ =	swait.ge [sflag:s8], $0x4000  }
0x87: {  	[sflag:s8] =	ssyncset.done $0x0  }
0x88: {  	[sflag:s8] =	ssyncadd.s32 $0xFFFFC000  }
0x89: {  	[hbm4b:s20+s2] =	stream.linear.scatter [tilespmem:s6], [sflag:$0x4], $0x4000, $0x38;
	[tilespmem:$0x8500] =	vst v63  }
0x8a: {  	_ =	swait.ge [sflag:s10], $0x4000  }
0x8b: {  	[sflag:s10] =	ssyncset.done $0x0  }
0x8c: {  	[sflag:s10] =	ssyncadd.s32 $0xFFFFC000  }
0x8d: {  	[tilespmem:s6], [sflag:$0x2] =	stream.indirect.gather [hbm4b:s4+s5], $0x80, s21, s5, $0xb8;
	[tilespmem:$0x8500] =	vst v63  }
0x8e: {  	_ =	swait.ge [sflag:s12], $0x4000  }
0x8f: {  	[sflag:s12] =	ssyncset.done $0x0  }
0x90: {  	[sflag:s12] =	ssyncadd.s32 $0xFFFFC000  }
0x91: {  	[hbm4b:s22+s2] =	stream.linear.scatter [tilespmem:s7], [sflag:$0x5], $0x4000, $0x38;
	[tilespmem:$0x8500] =	vst v63  }
0x92: {  	_ =	swait.ge [sflag:s13], $0x4000  }
0x93: {  	[sflag:s13] =	ssyncset.done $0x0  }
0x94: {  	[sflag:s13] =	ssyncadd.s32 $0xFFFFC000  }
0x95: {  	[tilespmem:s7], [sflag:$0x3] =	stream.indirect.gather [hbm4b:s4+s5], $0x80, s23, s5, $0xb8;
	[tilespmem:$0x8500] =	vst v63  }
0x96: {  	_ =	swait.ge [sflag:s8], $0x4000  }
0x97: {  	[sflag:s8] =	ssyncset.done $0x0  }
0x98: {  	[sflag:s8] =	ssyncadd.s32 $0xFFFFC000  }
0x99: {  	[hbm4b:s24+s2] =	stream.linear.scatter [tilespmem:s6], [sflag:$0x4], $0x4000, $0x38;
	[tilespmem:$0x8500] =	vst v63  }
0x9a: {  	_ =	swait.ge [sflag:s10], $0x4000  }
0x9b: {  	[sflag:s10] =	ssyncset.done $0x0  }
0x9c: {  	[sflag:s10] =	ssyncadd.s32 $0xFFFFC000  }
0x9d: {  	[tilespmem:s6], [sflag:$0x2] =	stream.indirect.gather [hbm4b:s4+s5], $0x80, s25, s5, $0xb8;
	[tilespmem:$0x8500] =	vst v63  }
0x9e: {  	_ =	swait.ge [sflag:s12], $0x4000  }
0x9f: {  	[sflag:s12] =	ssyncset.done $0x0  }
0xa0: {  	[sflag:s12] =	ssyncadd.s32 $0xFFFFC000  }
0xa1: {  	[hbm4b:s26+s2] =	stream.linear.scatter [tilespmem:s7], [sflag:$0x5], $0x4000, $0x38;
	[tilespmem:$0x8500] =	vst v63  }
0xa2: {  	_ =	swait.ge [sflag:s13], $0x4000  }
0xa3: {  	[sflag:s13] =	ssyncset.done $0x0  }
0xa4: {  	[sflag:s13] =	ssyncadd.s32 $0xFFFFC000  }
0xa5: {  	[tilespmem:s7], [sflag:$0x3] =	stream.indirect.gather [hbm4b:s4+s5], $0x80, s28, s5, $0xb8;
	[tilespmem:$0x8500] =	vst v63  }
0xa6: {  	_ =	swait.ge [sflag:s8], $0x4000  }
0xa7: {  	[sflag:s8] =	ssyncset.done $0x0  }
0xa8: {  	[sflag:s8] =	ssyncadd.s32 $0xFFFFC000  }
0xa9: {  	[hbm4b:s29+s2] =	stream.linear.scatter [tilespmem:s6], [sflag:$0x4], $0x4000, $0x38;
	[tilespmem:$0x8500] =	vst v63  }
0xaa: {  	_ =	swait.ge [sflag:s12], $0x4000  }
0xab: {  	[sflag:s12] =	ssyncset.done $0x0  }
0xac: {  	p0 =	sne.s32 s31, $0x1;
	[sflag:s12] =	ssyncadd.s32 $0xFFFFC000  }
0xad: {  	[hbm4b:s30+s2] =	stream.linear.scatter [tilespmem:s7], [sflag:$0x5], $0x4000, $0x38;
	[tilespmem:$0x8500] =	vst v63  }
.Ltmp1:
0xae: {  	_ =	swait.ge [sflag:s10], $0x4000;
	(pc) =	sbr.rel @p0 .LBB2_1-.Ltmp1, $4  }
0xaf: {  	[sflag:s10] =	ssyncset.done $0x0  }
0xb0: {  	[sflag:s10] =	ssyncadd.s32 $0xFFFFC000  }
0xb1: {  	_ =	swait.ge [sflag:s13], $0x4000  }
0xb2: {  	s31 =	sadd.s32 $0xFFFFFFFF, s31;
	[sflag:s13] =	ssyncset.done $0x0  }
.LBB2_2:
0xb3: {  	[sflag:s13] =	ssyncadd.s32 $0xFFFFC000  }
0xb4: {  	_ =	sfence.sel $0x180000  }
0xb5: {  	[bflag:$0x0] =	sbarrier.arrive $0xFFFF  }
0xb6: {  	_ =	strace $0x9000004D  }
0xb7: {  	[bflag:$0x2] =	sbarrier.arrive $0xFFFF  }
0xb8: {  	p0 =	sne.s32 s0, $0x0;
	s0 =	rddreg [dreg:$0x1]  }
0xb9: {  	s0 =	sadd.s32 @!p0 $0x100000, s0  }
0xba: {  	[sflag:s0] =	ssyncadd.tile.s32 @!p0 $0x1;
	_ =	shalt  }
.Lfunc_end2:
_tile_overlayer_lowered:
.L_overlay_start_2:
0xbb: {  	(tag) =	ssettag $0x2  }
0xbc: {  	s0 =	rddreg [dreg:$0x0];
	s2 =	stileid.u32  }
0xbd: {  	s1 =	rddreg [dreg:$0x1];
	p0 =	sne.s32 s2, $0x0  }
0xbe: {  	s3 =	rddreg [dreg:$0x2];
	[bflag:$0x3] =	sbarrier.arrive $0xFFFF;
	s2 =	simm.s32 @!p0 $0x1C06  }
0xbf: {  	[timem:s3], [sflag:s2] =	dma.local @!p0 [hbm:s0], s1  }
0xc0: {  	s0 =	simm.s32 @!p0 $0x6  }
0xc1: {  	_ =	swait.ge @!p0 [sflag:s0], s1  }
0xc2: {  	s1 =	ssub.s32 @!p0 $0x0, s1;
	[sflag:s0] =	ssyncset.done @!p0 $0x0  }
0xc3: {  	[sflag:s0] =	ssyncadd.s32 @!p0 s1  }
0xc4: {  	[bflag:$0x3] =	sbarrier.arrive $0xFFFF  }
0xc5: {  	_ =	shalt  }

// kernel: kernel.9.cloned.1.call-start
scs
__scs_entry_jumppad:
0x0: {  	(pc) =	sbr.rel $0x88, $3  }
0x1: {  	(tag) =	ssettag $0x0;
	lr =	simm.s32 $0x1  }
0x2: {  	[smem:$0x3F93] =	sst lr;
	_ =	strace $0xD0000000  }
0x3: {  	_ = 	snop  }
0x4: {  	_ = 	snop  }
0x5: {  	_ = 	snop  }
0x6: {  	_ = 	snop  }
0x7: {  	_ = 	snop  }
__scs_overlays_trampoline_lowered:
0x8: {  	[smem:$0x3FA2] =	sst s0  }
0x9: {  	[smem:$0x3FA3] =	sst s1  }
0xa: {  	[smem:$0x3FA4] =	sst s2  }
0xb: {  	[smem:$0x3FA5] =	sst s3  }
0xc: {  	[smem:$0x3FA6] =	sst s4  }
0xd: {  	[smem:$0x3FA7] =	sst s5  }
0xe: {  	[smem:$0x3FA8] =	sst s6  }
0xf: {  	[smem:$0x3FA9] =	sst s7  }
0x10: {  	[smem:$0x3FAA] =	sst s8  }
0x11: {  	[smem:$0x3FAB] =	sst s9;
	s0 =	simm.s32 @!p0 $0x0  }
0x12: {  	s1 =	sld [smem:$0x3F91];
	s0 =	simm.s32 @p0 $0x1  }
0x13: {  	[smem:$0x3FAC] =	sst s0;
	s0 =	simm.s32 @!p1 $0x0  }
0x14: {  	s2 =	sld [smem:$0x3F90];
	s0 =	simm.s32 @p1 $0x1  }
0x15: {  	[smem:$0x3FAD] =	sst s0;
	s0 =	simm.s32 @!p2 $0x0  }
0x16: {  	s3 =	sld [smem:$0x3FDB];
	s0 =	simm.s32 @p2 $0x1  }
0x17: {  	s4 =	simm.s32 $0x1BF5;
	[smem:$0x3FAF] =	sst s0  }
0x18: {  	s0 =	sld [smem:$0x3F92];
	_ =	swait.ge [sflag:s4], $0x0  }
0x19: {  	s7 =	sld [smem:$0x3F93]  }
0x1a: {  	s8 =	sadd.s32 $0xFFFFE003, lr  }
0x1b: {  	s9 =	sadd.s32 $0xFFFFFEF7, lr;
	s5 =	simm.s32 $0xFFFFFFFF;
	p2 =	slt.u32 s8, $0xFFFFF086  }
0x1c: {  	p1 =	slt.u32 s9, $0xF7A;
	s5 =	simm.s32 @!p2 $0x0  }
0x1d: {  	s5 =	simm.s32 @p1 $0x1;
	p0 =	seq.s32 s7, s2  }
0x1e: {  	s7 =	smul.u32 @!p0 $0xF7A, s2;
	p2 =	seq.s32 @!p0 s5, $0x0  }
0x1f: {  	s9 =	smul.u32 $0xF7A, s1;
	s8 =	simm.s32 @!p0 $0x1BF5;
	p2 =	por !p2, p0  }
0x20: {  	[sflag:s8] =	ssyncset.s32 @!p0 $0xFFFFF086;
	s6 =	sadd.s32 @!p0 s3, s7;
	s7 =	simm.s32 @!p0 $0x108  }
0x21: {  	s3 =	sadd.s32 s3, s9;
	s6 =	sadd.s32 @!p0 $0x88, s6;
	s7 =	simm.s32 @p2 $0x1082  }
0x22: {  	[simem:s7], [sflag:s8] =	dma.local @!p0 [hbm:s6], $0xF7A  }
0x23: {  	s9 =	sor.u32 $0xD0000000, s2;
	s6 =	simm.s32 $0x108;
	_ =	swait.ge @!p0 [sflag:s8], $0x0  }
0x24: {  	s3 =	sadd.s32 $0x88, s3;
	s6 =	simm.s32 @!p1 $0x1082;
	[sflag:s4] =	ssyncset.s32 $0xFFFFF086  }
0x25: {  	[simem:s6], [sflag:s4] =	dma.local [hbm:s3], $0xF7A  }
0x26: {  	[smem:$0x3F93] =	sst s1;
	(tag) =	ssettag s2;
	_ =	strace s9  }
0x27: {  	s1 =	sld [smem:$0x3FA3]  }
0x28: {  	s2 =	sld [smem:$0x3FA4]  }
0x29: {  	s4 =	sld [smem:$0x3FA6]  }
0x2a: {  	p0 =	seq.s32 s5, $0x0;
	s5 =	sld [smem:$0x3FA7]  }
0x2b: {  	s6 =	sld [smem:$0x3FA8]  }
0x2c: {  	s7 =	sld [smem:$0x3FA9]  }
0x2d: {  	s3 =	simm.s32 $0x108;
	s8 =	sld [smem:$0x3FAA]  }
0x2e: {  	s3 =	simm.s32 @!p0 $0x1082;
	s9 =	sld [smem:$0x3FAB]  }
0x2f: {  	lr =	sadd.s32 s0, s3;
	s0 =	sld [smem:$0x3FA2]  }
0x30: {  	s3 =	sld [smem:$0x3FA5]  }
0x31: {  	[smem:$0x3FAE] =	sst s10  }
0x32: {  	s10 =	sld [smem:$0x3FAC];
	_ =	sdelay $0x3  }
0x33: {  	p0 =	seq.s32 s10, $0x1;
	s10 =	sld [smem:$0x3FAE];
	_ =	sdelay $0x3  }
0x34: {  	[smem:$0x3FAE] =	sst s10  }
0x35: {  	s10 =	sld [smem:$0x3FAD];
	_ =	sdelay $0x3  }
0x36: {  	p1 =	seq.s32 s10, $0x1;
	s10 =	sld [smem:$0x3FAE];
	_ =	sdelay $0x3  }
0x37: {  	[smem:$0x3FAE] =	sst s10  }
0x38: {  	s10 =	sld [smem:$0x3FAF]  }
0x39: {  	_ = 	snop;
	(pc) =	sbr.ind lr, $3  }
0x3a: {  	_ = 	snop  }
0x3b: {  	_ = 	snop  }
0x3c: {  	p2 =	seq.s32 s10, $0x1;
	s10 =	sld [smem:$0x3FAE]  }
0x3d: {  	_ =	shalt  }
0x3e: {  	_ =	shalt  }
0x3f: {  	_ =	shalt  }
0x40: {  	_ =	shalt  }
0x41: {  	_ =	shalt  }
0x42: {  	_ =	shalt  }
0x43: {  	_ =	shalt  }
0x44: {  	_ =	shalt  }
0x45: {  	_ =	shalt  }
0x46: {  	_ =	shalt  }
0x47: {  	_ =	shalt  }
0x48: {  	_ =	shalt  }
0x49: {  	_ =	shalt  }
0x4a: {  	_ =	shalt  }
0x4b: {  	_ =	shalt  }
0x4c: {  	_ =	shalt  }
0x4d: {  	_ =	shalt  }
0x4e: {  	_ =	shalt  }
0x4f: {  	_ =	shalt  }
0x50: {  	_ =	shalt  }
0x51: {  	_ =	shalt  }
0x52: {  	_ =	shalt  }
0x53: {  	_ =	shalt  }
0x54: {  	_ =	shalt  }
0x55: {  	_ =	shalt  }
0x56: {  	_ =	shalt  }
0x57: {  	_ =	shalt  }
0x58: {  	_ =	shalt  }
0x59: {  	_ =	shalt  }
0x5a: {  	_ =	shalt  }
0x5b: {  	_ =	shalt  }
0x5c: {  	_ =	shalt  }
0x5d: {  	_ =	shalt  }
0x5e: {  	_ =	shalt  }
0x5f: {  	_ =	shalt  }
0x60: {  	_ =	shalt  }
0x61: {  	_ =	shalt  }
0x62: {  	_ =	shalt  }
0x63: {  	_ =	shalt  }
0x64: {  	_ =	shalt  }
0x65: {  	_ =	shalt  }
0x66: {  	_ =	shalt  }
0x67: {  	_ =	shalt  }
0x68: {  	_ =	shalt  }
0x69: {  	_ =	shalt  }
0x6a: {  	_ =	shalt  }
0x6b: {  	_ =	shalt  }
0x6c: {  	_ =	shalt  }
0x6d: {  	_ =	shalt  }
0x6e: {  	_ =	shalt  }
0x6f: {  	_ =	shalt  }
0x70: {  	_ =	shalt  }
0x71: {  	_ =	shalt  }
0x72: {  	_ =	shalt  }
0x73: {  	_ =	shalt  }
0x74: {  	_ =	shalt  }
0x75: {  	_ =	shalt  }
0x76: {  	_ =	shalt  }
0x77: {  	_ =	shalt  }
0x78: {  	_ =	shalt  }
0x79: {  	_ =	shalt  }
0x7a: {  	_ =	shalt  }
0x7b: {  	_ =	shalt  }
0x7c: {  	_ =	shalt  }
0x7d: {  	_ =	shalt  }
0x7e: {  	_ =	shalt  }
0x7f: {  	_ =	shalt  }
0x80: {  	_ =	shalt  }
0x81: {  	_ =	shalt  }
0x82: {  	_ =	shalt  }
0x83: {  	_ =	shalt  }
0x84: {  	_ =	shalt  }
0x85: {  	_ =	shalt  }
0x86: {  	_ =	shalt  }
0x87: {  	_ =	shalt  }
.Lfunc_end0:
.L_simem_size_0:
called_computation_lowered:
.L_overlay_start_0:
0x88: {  	s2 =	sld [smem:$0x3FD9]  }
0x89: {  	s3 =	sld [smem:$0x3FFE];
	_ =	sdelay $0x1  }
0x8a: {  	s1 =	srdreg.scid  }
0x8b: {  	s0 =	sand.u32 $0x1, s1  }
0x8c: {  	s17 =	sshll.u32 s0, $0xA;
	s2 =	sadd.s32 s3, s2  }
0x8d: {  	s2 =	sadd.s32 s2, s17  }
0x8e: {  	[smem:$0x3FBA] =	sst s2  }
0x8f: {  	_ = 	snop  }
0x90: {  	s2 =	sld [smem:$0x3FD0];
	(tm) =	ssettm $0x1  }
0x91: {  	s18 =	sld [smem:$0x3FFB];
	_ =	sdelay $0x3  }
0x92: {  	_ =	strace s18  }
0x93: {  	s3 =	sld [smem:$0x3FFC];
	_ =	sdelay $0x3  }
0x94: {  	_ =	strace s3  }
0x95: {  	s3 =	sld [smem:$0x3FFD];
	_ =	sdelay $0x3  }
0x96: {  	_ =	strace s3  }
0x97: {  	_ =	strace $0x8FFFFFFF  }
0x98: {  	s19 =	sld [smem:$0x3FDB];
	_ =	sdelay $0x1  }
0x99: {  	s4 =	simm.s32 $_scs_section_size  }
0x9a: {  	s5 =	simm.s32 $_size__tile_overlayer_lowered;
	s6 =	simm.s32 $_tile_overlayer_lowered  }
0x9b: {  	s22 =	simm.s32 $0x1BFF;
	s21 =	sshll.u32 s6, $0x1;
	s3 =	sadd.s32 s4, s19  }
0x9c: {  	s7 =	simm.s32 $0x0;
	s20 =	sshll.u32 s5, $0x1;
	s5 =	sadd.s32 s21, s3  }
0x9d: {  	[timem:s7], [sflag:s22] =	dma.local [hbm:s5], s20  }
0x9e: {  	_ =	swait.ge [sflag:s22], s20  }
0x9f: {  	s4 =	ssub.s32 $0x0, s20;
	[sflag:s22] =	ssyncset.done $0x0  }
0xa0: {  	[sflag:s22] =	ssyncadd.s32 s4;
	_ =	sdelay $0x1  }
0xa1: {  	s23 =	simm.s32 $0x1B8B  }
0xa2: {  	_ =	swait.ge [sflag:s23], $0x1  }
0xa3: {  	[sflag:s23] =	ssyncset.done $0x0  }
0xa4: {  	s25 =	simm.s32 $0x1B8E;
	s24 =	sld [smem:$0x3FFE];
	[sflag:s23] =	ssyncadd.s32 $0xFFFFFFFF  }
0xa5: {  	s26 =	simm.s32 $execute0_lowered;
	[smem:$0x3FD2] =	sst s25  }
0xa6: {  	s5 =	sshll.u32 s26, $0x1;
	_ =	strace $0x80000046;
	[dreg:$0x1] =	wrdreg $0xFFFFFFFF  }
0xa7: {  	s28 =	simm.s32 $_size_execute0_lowered;
	s3 =	sadd.s32 s3, s5;
	[dreg:$0x0] =	wrdreg $0x0  }
0xa8: {  	s5 =	sshll.u32 s28, $0x1;
	[dreg:$0x2] =	wrdreg s3  }
0xa9: {  	[dreg:$0x3] =	wrdreg s5  }
0xaa: {  	[dreg:$0x4] =	wrdreg $0xC0  }
0xab: {  	_ =	task [dreg:s7], $0x5FFFF  }
0xac: {  	[dreg:$0x1] =	wrdreg $0xFFFFFFFF  }
0xad: {  	[dreg:$0x0] =	wrdreg $0x60  }
0xae: {  	[dreg:$0x2] =	wrdreg s24  }
0xaf: {  	[dreg:$0x3] =	wrdreg s2  }
0xb0: {  	[dreg:$0x4] =	wrdreg $0x9  }
0xb1: {  	_ =	task.clear_ibuf [dreg:s7], $0x5FFFF;
	_ =	strace $0x90000046  }
0xb2: {  	s29 =	simm.s32 $0x9;
	_ =	strace $0x80000048  }
0xb3: {  	_ =	swait.ge [sflag:s29], $0x1  }
0xb4: {  	[sflag:s29] =	ssyncadd.s32 $0xFFFFFFFF  }
0xb5: {  	_ =	strace $0x90000048  }
0xb6: {  	_ =	sfence  }
0xb7: {  	s30 =	sld [smem:$0x0];
	_ =	sdelay $0x2  }
0xb8: {  	s31 =	sshll.u32 s1, $0xD;
	s1 =	sshrl.u32 s1, $0x2  }
0xb9: {  	s3 =	sand.u32 $0x4000, s31;
	s1 =	sadd.s32 s1, s30  }
0xba: {  	s0 =	sor.u32 s3, s0;
	s1 =	sshll.u32 s1, $0x11  }
0xbb: {  	s0 =	sor.u32 s1, s0  }
0xbc: {  	s0 =	sadd.s32 $0x8F2B, s0  }
0xbd: {  	[sflag:s0] =	ssyncadd.remote.s32 $0x1  }
0xbe: {  	_ =	sfence.sel $0xFFFF  }
0xbf: {  	[dreg:$0x0] =	wrdreg $0xFFFFFFFF;
	(pc) =	sbr.abs _section_cstart, $3  }
0xc0: {  	[dreg:$0x1] =	wrdreg $0xFFFFFFFF  }
0xc1: {  	_ =	task.clear_ibuf [dreg:s7], $0x2FFFF;
	_ =	strace $0x9FFFFFFF  }
0xc2: {  	(tm) =	ssettm $0x7FFFFFFF  }
0xc3: {  	_ =	shalt  }
tec
execute0_lowered:
.L_overlay_start_1:
0x0: {  	(tag) =	ssettag $0x1  }
0x1: {  	s4 =	rddreg [dreg:$0x0];
	s1 =	srdreg.scid  }
0x2: {  	s0 =	stileid.u32;
	s5 =	rddreg [dreg:$0x1];
	s2 =	simm.s32 $0x0  }
0x3: {  	s13 =	simm.s32 $0x0;
	s6 =	sand.u32 $0x1, s1;
	s1 =	rddreg [dreg:$0x2]  }
0x4: {  	s3 =	sshll.u32 s0, $0x1;
	[smem:$0x7FF] =	sst s2;
	s11 =	smul.u32 $0x9D000, s0  }
0x5: {  	s12 =	sadd.s32 $0x4E6A00, s4;
	s3 =	sor.u32 s6, s3;
	s29 =	smul.u32 $0x4E800, s6  }
0x6: {  	_ =	strace $0x80000047;
	s8 =	ssub.s32 $0x2, s6;
	s7 =	smul.u32 $0x9D0, s3  }
0x7: {  	s9 =	smul.u32 $0x4E800, s3;
	s3 =	sadd.s32 $0x275A00, s4;
	s10 =	sshrl.u32 s8, $0x1  }
0x8: {  	s31 =	sadd.s32 s11, s12;
	s11 =	simm.s32 $0x2;
	s8 =	ssub.s32 s8, s10  }
0x9: {  	s10 =	simm.s32 $0x4E80;
	s4 =	sadd.s32 s5, s7;
	s30 =	sadd.s32 s12, s9  }
0xa: {  	s5 =	smax.u32 s8, $0x1;
	s7 =	sadd.s32 s29, s31;
	s8 =	simm.s32 $0x1  }
0xb: {  	s9 =	simm.s32 $0x80;
	s12 =	simm.s32 $0x3;
	s6 =	sadd.s32 $0x4E000, s30  }
.LBB2_1:
0xc: {  	[tilespmem:s2], [sflag:$0x1] =	stream.linear.gather [hbm4b:s4+s2], $0x4E80, $0x38;
	[tilespmem:$0x8E80] =	vst v63  }
0xd: {  	_ =	swait.ge [sflag:s8], $0x4E80  }
0xe: {  	[sflag:s8] =	ssyncset.done $0x0  }
0xf: {  	[sflag:s8] =	ssyncadd.s32 $0xFFFFB180  }
0x10: {  	[tilespmem:s10], [sflag:$0x2] =	stream.indirect.gather [hbm4b:s3+s9], $0x80, s2, s9, $0xb8;
	[tilespmem:$0x8E80] =	vst v63  }
0x11: {  	_ =	swait.ge [sflag:s11], $0x4000  }
0x12: {  	[sflag:s11] =	ssyncset.done $0x0  }
0x13: {  	[sflag:s11] =	ssyncadd.s32 $0xFFFFC000  }
0x14: {  	[hbm4b:s7+s2] =	stream.linear.scatter [tilespmem:s10], [sflag:$0x3], $0x4000, $0x38;
	[tilespmem:$0x8E80] =	vst v63  }
0x15: {  	_ =	swait.ge [sflag:s12], $0x4000  }
0x16: {  	s14 =	simm.s32 $0x400;
	[sflag:s12] =	ssyncset.done $0x0  }
0x17: {  	s16 =	simm.s32 $0x80;
	s15 =	sadd.s32 $0x800, s7;
	[sflag:s12] =	ssyncadd.s32 $0xFFFFC000  }
.LBB2_2:
0x18: {  	[tilespmem:s10], [sflag:$0x2] =	stream.indirect.gather [hbm4b:s3+s9], $0x80, s16, s9, $0xb8;
	[tilespmem:$0x8E80] =	vst v63  }
0x19: {  	s16 =	smov.u32 s14  }
0x1a: {  	p0 =	sne.s32 s14, $0x13800;
	s14 =	sadd.s32 $0x200, s14;
	_ =	swait.ge [sflag:s11], $0x4000  }
0x1b: {  	[sflag:s11] =	ssyncset.done $0x0  }
.Ltmp0:
0x1c: {  	[sflag:s11] =	ssyncadd.s32 $0xFFFFC000;
	(pc) =	sbr.rel @p0 .LBB2_2-.Ltmp0, $4  }
0x1d: {  	[hbm4b:s15+s2] =	stream.linear.scatter [tilespmem:s10], [sflag:$0x3], $0x4000, $0x38;
	[tilespmem:$0x8E80] =	vst v63  }
0x1e: {  	_ =	swait.ge [sflag:s12], $0x4000  }
0x1f: {  	[sflag:s12] =	ssyncset.done $0x0  }
0x20: {  	s16 =	sshra.s32 s16, $0x2;
	s15 =	sadd.s32 $0x800, s15;
	[sflag:s12] =	ssyncadd.s32 $0xFFFFC000  }
0x21: {  	[tilespmem:s10], [sflag:$0x2] =	stream.indirect.gather [hbm4b:s3+s9], $0x80, s16, s9, $0xb8;
	[tilespmem:$0x8E80] =	vst v63  }
0x22: {  	s13 =	sadd.s32 $0x1, s13;
	_ =	swait.ge [sflag:s11], $0x4000  }
0x23: {  	p0 =	sne.s32 s13, s5;
	[sflag:s11] =	ssyncset.done $0x0  }
.Ltmp1:
0x24: {  	[sflag:s11] =	ssyncadd.s32 $0xFFFFC000;
	(pc) =	sbr.rel @p0 .LBB2_1-.Ltmp1, $4  }
0x25: {  	[hbm4b:s6+s2] =	stream.linear.scatter [tilespmem:s10], [sflag:$0x3], $0x4000, $0x38;
	[tilespmem:$0x8E80] =	vst v63  }
0x26: {  	_ =	swait.ge [sflag:s12], $0x4000  }
0x27: {  	[sflag:s12] =	ssyncset.done $0x0  }
0x28: {  	[sflag:s12] =	ssyncadd.s32 $0xFFFFC000  }
0x29: {  	_ =	sfence.sel $0x180000  }
0x2a: {  	[bflag:$0x0] =	sbarrier.arrive $0xFFFF  }
0x2b: {  	p0 =	sne.s32 s0, $0x0;
	_ =	strace $0x90000047  }
0x2c: {  	s0 =	sadd.s32 @!p0 $0x100000, s1;
	[bflag:$0x2] =	sbarrier.arrive $0xFFFF  }
0x2d: {  	[sflag:s0] =	ssyncadd.tile.s32 @!p0 $0x1;
	_ =	shalt  }
.Lfunc_end2:
_tile_overlayer_lowered:
.L_overlay_start_2:
0x2e: {  	(tag) =	ssettag $0x2  }
0x2f: {  	s0 =	rddreg [dreg:$0x0];
	s2 =	stileid.u32  }
0x30: {  	s1 =	rddreg [dreg:$0x1];
	p0 =	sne.s32 s2, $0x0  }
0x31: {  	s3 =	rddreg [dreg:$0x2];
	[bflag:$0x3] =	sbarrier.arrive $0xFFFF;
	s2 =	simm.s32 @!p0 $0x1C04  }
0x32: {  	[timem:s3], [sflag:s2] =	dma.local @!p0 [hbm:s0], s1  }
0x33: {  	s0 =	simm.s32 @!p0 $0x4  }
0x34: {  	_ =	swait.ge @!p0 [sflag:s0], s1  }
0x35: {  	s1 =	ssub.s32 @!p0 $0x0, s1;
	[sflag:s0] =	ssyncset.done @!p0 $0x0  }
0x36: {  	[sflag:s0] =	ssyncadd.s32 @!p0 s1  }
0x37: {  	[bflag:$0x3] =	sbarrier.arrive $0xFFFF  }
0x38: {  	_ =	shalt  }

</sc_bundles>
